<compile_context>
chip_gen: v7x
topology: tpu7x:2x2x1
jax: 0.10.2.dev20260603
libtpu: 0.0.44.dev20260713+nightly
codegen_flags: <defaults>
</compile_context>

<pallas_src>
import jax
import jax.numpy as jnp
from jax import lax
from jax.experimental import pallas as pl
from jax.experimental.pallas import tpu as pltpu
from jax.experimental.pallas import tpu_sc as plsc

_E = 320000
_T = 640000
_H = 128
_BE = 4000

_NC = 2
_NS = 16
_NW = _NC * _NS
_TPW = _T // _NW
_NG = 400


def _gather_body(table_hbm, idx_hbm, out_hbm, idxa, idxb, rowsa, rowsb,
                 sema, semb):
    wid = lax.axis_index("s") * _NC + lax.axis_index("c")
    base0 = wid * _TPW
    n = _TPW // _NG
    pltpu.sync_copy(idx_hbm.at[pl.ds(base0, _NG)], idxa)
    pltpu.async_copy(table_hbm.at[idxa], rowsa, sema)

    def pair(j, carry):
        ka = 2 * j
        kb = 2 * j + 1
        pltpu.sync_copy(idx_hbm.at[pl.ds(base0 + kb * _NG, _NG)], idxb)
        pltpu.async_copy(table_hbm.at[idxb], rowsb, semb)
        pltpu.make_async_copy(table_hbm.at[idxa], rowsa, sema).wait()
        pltpu.sync_copy(rowsa, out_hbm.at[pl.ds(base0 + ka * _NG, _NG)])

        @pl.when(kb + 1 < n)
        def _():
            pltpu.sync_copy(idx_hbm.at[pl.ds(base0 + (kb + 1) * _NG, _NG)],
                            idxa)
            pltpu.async_copy(table_hbm.at[idxa], rowsa, sema)

        pltpu.make_async_copy(table_hbm.at[idxb], rowsb, semb).wait()
        pltpu.sync_copy(rowsb, out_hbm.at[pl.ds(base0 + kb * _NG, _NG)])
        return carry

    lax.fori_loop(0, n // 2, pair, 0)


def _sc_gather(table, idx):
    mesh = plsc.VectorSubcoreMesh(core_axis_name="c", subcore_axis_name="s")
    return pl.kernel(
        _gather_body,
        out_type=jax.ShapeDtypeStruct((_T, _H), jnp.float32),
        mesh=mesh,
        compiler_params=pltpu.CompilerParams(needs_layout_passes=False),
        scratch_types=[
            pltpu.VMEM((_NG,), jnp.int32),
            pltpu.VMEM((_NG,), jnp.int32),
            pltpu.VMEM((_NG, _H), jnp.float32),
            pltpu.VMEM((_NG, _H), jnp.float32),
            pltpu.SemaphoreType.DMA,
            pltpu.SemaphoreType.DMA,
        ],
    )(table, idx)


def _swish(v):
    return v * jax.nn.sigmoid(v)


def _dot(a, b):
    return jax.lax.dot_general(a, b, (((1,), (0,)), ((), ())),
                               preferred_element_type=jnp.float32)


_CH = 13440
_NP = 12
_TPS = _T // _NS
_RPS = _CH // _NS
_NF = 160
_IC = 1600
_DUMP = _CH


def _scatter_body(t_hbm, idx_hbm, xji_hbm, h_hbm, idxc, wbuf, dbuf,
                  wbufs, dbufs, rows, acc, sem):
    c = lax.axis_index("c")
    s = lax.axis_index("s")
    zero = jnp.zeros((16,), jnp.int32)
    for j in range(_NF // 16):
        wbuf[pl.ds(j * 16, 16)] = zero
    lanes = lax.iota(jnp.int32, 16)
    dumpv = jnp.full((16,), _DUMP, jnp.int32)

    def drain():
        pltpu.make_async_copy(t_hbm.at[wbufs], rows, sem).wait()
        pltpu.sync_copy(rows, acc.at[dbufs], add=True)

    def flush_start(cnt, pend):
        @pl.when(pend == 1)
        def _():
            drain()

        cntv = jnp.broadcast_to(cnt, (16,))
        for j in range(_NF // 16):
            d = dbuf[pl.ds(j * 16, 16)]
            keep = (lanes + (j * 16)) < cntv
            dbufs[pl.ds(j * 16, 16)] = jnp.where(keep, d, dumpv)
            wbufs[pl.ds(j * 16, 16)] = wbuf[pl.ds(j * 16, 16)]
        pltpu.async_copy(t_hbm.at[wbufs], rows, sem)

    def one_pass(p, carry):
        base = jnp.minimum((p * _NC + c) * _CH, _E - _CH)
        pltpu.sync_copy(xji_hbm.at[pl.ds(base + s * _RPS, _RPS)],
                        acc.at[pl.ds(s * _RPS, _RPS)])
        plsc.subcore_barrier()
        basev = jnp.broadcast_to(base, (16,))

        def ichunk(ch, carry):
            pltpu.sync_copy(idx_hbm.at[pl.ds(s * _TPS + ch * _IC, _IC)], idxc)

            def step(k, carry):
                cnt, pend = carry
                v = idxc[pl.ds(k * 16, 16)]
                m = (v >= basev) & (v < basev + _CH)
                mi = m.astype(jnp.int32)
                cs = plsc.cumsum(mi)
                pos = jnp.broadcast_to(cnt, (16,)) + (cs - 1)
                w = lanes + jnp.broadcast_to(
                    s * _TPS + ch * _IC + k * 16, (16,))
                plsc.store_scatter(wbuf, [pos], w, mask=m)
                plsc.store_scatter(dbuf, [pos], v - basev, mask=m)
                cnt = cnt + jnp.sum(mi)
                full = cnt > _NF - 16

                @pl.when(full)
                def _():
                    flush_start(cnt, pend)

                return (jnp.where(full, 0, cnt), jnp.where(full, 1, pend))

            return lax.fori_loop(0, _IC // 16, step, carry)

        cnt, pend = lax.fori_loop(0, _TPS // _IC, ichunk, (0, 0))

        @pl.when(cnt > 0)
        def _():
            flush_start(cnt, pend)
            drain()

        @pl.when((cnt == 0) & (pend == 1))
        def _():
            drain()

        plsc.subcore_barrier()
        pltpu.sync_copy(acc.at[pl.ds(s * _RPS, _RPS)],
                        h_hbm.at[pl.ds(base + s * _RPS, _RPS)])
        return carry

    lax.fori_loop(0, _NP, one_pass, 0)


def _sc_scatter_add(t, idx_ji, x_ji):
    mesh = plsc.VectorSubcoreMesh(core_axis_name="c", subcore_axis_name="s")
    return pl.kernel(
        _scatter_body,
        out_type=jax.ShapeDtypeStruct((_E, _H), jnp.float32),
        mesh=mesh,
        compiler_params=pltpu.CompilerParams(needs_layout_passes=False),
        scratch_types=[
            pltpu.VMEM((_IC,), jnp.int32),
            pltpu.VMEM((_NF,), jnp.int32),
            pltpu.VMEM((_NF,), jnp.int32),
            pltpu.VMEM((_NF,), jnp.int32),
            pltpu.VMEM((_NF,), jnp.int32),
            pltpu.VMEM((_NF, _H), jnp.float32),
            pltpu.VMEM_SHARED((_CH + 8, _H), jnp.float32),
            pltpu.SemaphoreType.DMA,
        ],
    )(t, idx_ji, x_ji)


def _edge_body(x_ref, rbf_ref, wji_ref, bji_ref, wkj_ref, bkj_ref, wrbf_ref,
               xji_ref, xkj_ref):
    xv = x_ref[...].astype(jnp.bfloat16)
    rbf_p = _dot(rbf_ref[...], wrbf_ref[...])
    xji_ref[...] = _swish(_dot(xv, wji_ref[...]) + bji_ref[...])
    xkj_ref[...] = _swish(_dot(xv, wkj_ref[...]) + bkj_ref[...]) * rbf_p


def _edge_transform(x, rbf, Wji, bji, Wkj, bkj, W_rbf):
    grid = (_E // _BE,)
    full = lambda *s: pl.BlockSpec(s, lambda i: tuple(0 for _ in s))
    return pl.pallas_call(
        _edge_body,
        grid=grid,
        in_specs=[
            pl.BlockSpec((_BE, _H), lambda i: (i, 0)),
            pl.BlockSpec((_BE, 6), lambda i: (i, 0)),
            full(_H, _H), full(1, _H), full(_H, _H), full(1, _H), full(6, _H),
        ],
        out_specs=[pl.BlockSpec((_BE, _H), lambda i: (i, 0)),
                   pl.BlockSpec((_BE, _H), lambda i: (i, 0))],
        out_shape=[jax.ShapeDtypeStruct((_E, _H), jnp.float32),
                   jax.ShapeDtypeStruct((_E, _H), jnp.float32)],
    )(x, rbf, Wji.astype(jnp.bfloat16), bji.reshape(1, _H),
      Wkj.astype(jnp.bfloat16), bkj.reshape(1, _H), W_rbf)


_BT = 4000


def _tri_body(sbf_ref, g_ref, wsbf_ref, wbt_ref, o_ref):
    sbfp = _dot(sbf_ref[...], wsbf_ref[...])
    g = g_ref[...].astype(jnp.bfloat16)
    wbt = wbt_ref[...]
    acc = sbfp[:, 0:1] * _dot(g, wbt[0])
    for j in range(1, 8):
        acc += sbfp[:, j:j + 1] * _dot(g, wbt[j])
    o_ref[...] = acc


def _tri_einsum(sbf, g, W_sbf, Wbt):
    grid = (_T // _BT,)
    return pl.pallas_call(
        _tri_body,
        grid=grid,
        in_specs=[
            pl.BlockSpec((_BT, 42), lambda i: (i, 0)),
            pl.BlockSpec((_BT, _H), lambda i: (i, 0)),
            pl.BlockSpec((42, 8), lambda i: (0, 0)),
            pl.BlockSpec((8, _H, _H), lambda i: (0, 0, 0)),
        ],
        out_specs=pl.BlockSpec((_BT, _H), lambda i: (i, 0)),
        out_shape=jax.ShapeDtypeStruct((_T, _H), jnp.float32),
    )(sbf, g, W_sbf, Wbt)


def _mlp_body(h_ref, x_ref, w_ref, b_ref, o_ref):
    h = h_ref[...]
    x = x_ref[...]
    W = w_ref[...]
    B = b_ref[...]

    def lin(v, i):
        return _dot(v.astype(jnp.bfloat16), W[i]) + B[i][None, :]

    h = h + _swish(lin(_swish(lin(h, 0)), 1))
    h = _swish(lin(h, 2)) + x
    h = h + _swish(lin(_swish(lin(h, 3)), 4))
    h = h + _swish(lin(_swish(lin(h, 5)), 6))
    o_ref[...] = _swish(lin(h, 7))


def _mlp_stack(h, x, Wstack, Bstack):
    grid = (_E // _BE,)
    return pl.pallas_call(
        _mlp_body,
        grid=grid,
        in_specs=[
            pl.BlockSpec((_BE, _H), lambda i: (i, 0)),
            pl.BlockSpec((_BE, _H), lambda i: (i, 0)),
            pl.BlockSpec((8, _H, _H), lambda i: (0, 0, 0)),
            pl.BlockSpec((8, _H), lambda i: (0, 0)),
        ],
        out_specs=pl.BlockSpec((_BE, _H), lambda i: (i, 0)),
        out_shape=jax.ShapeDtypeStruct((_E, _H), jnp.float32),
    )(h, x, Wstack, Bstack)


def kernel(x, rbf, sbf, idx_kj, idx_ji, W_rbf, W_sbf, Wkj, bkj, Wji, bji, Wb,
           rb0_W1, rb0_b1, rb0_W2, rb0_b2, Wlin, blin,
           ra0_W1, ra0_b1, ra0_W2, ra0_b2, ra1_W1, ra1_b1, ra1_W2, ra1_b2,
           Wout, bout):
    x_ji, x_kj = _edge_transform(x, rbf, Wji, bji, Wkj, bkj, W_rbf)
    g = _sc_gather(x_kj, idx_kj)
    t = _tri_einsum(sbf, g, W_sbf,
                    Wb.transpose(1, 2, 0).astype(jnp.bfloat16))
    h = _sc_scatter_add(t, idx_ji, x_ji)

    Wstack = jnp.stack([rb0_W1, rb0_W2, Wlin, ra0_W1, ra0_W2,
                        ra1_W1, ra1_W2, Wout]).astype(jnp.bfloat16)
    Bstack = jnp.stack([rb0_b1, rb0_b2, blin, ra0_b1, ra0_b2,
                        ra1_b1, ra1_b2, bout])
    return _mlp_stack(h, x, Wstack, Bstack)

# --- scband reference (transcript-rebuilt; emitter-appended) ---
"""Pipeline reference for scband-interaction-block-12086037971135 (READ-ONLY COPY).

The authoritative reference and input builder live on the scoring server;
editing this copy changes nothing except your own understanding.
"""

import jax, jax.numpy as jnp
import numpy as np

E = 320000
T = 640000
H = 128
NR = 6
NSR = 42
NB = 8
OUT = 128


def _swish(v):
    return v * jax.nn.sigmoid(v)


def setup_inputs(seed: int = 0) -> dict:
    key = jax.random.key(seed)
    k = jax.random.split(key, 24)

    def lin_w(kk, fin, fout):
        return jax.random.normal(kk, (fin, fout), dtype=jnp.float32) * (1.0 / np.sqrt(fin))

    inp = {}
    inp["x"] = jax.random.normal(k[0], (E, H), dtype=jnp.float32)
    inp["rbf"] = jax.random.normal(k[1], (E, NR), dtype=jnp.float32)
    inp["sbf"] = jax.random.normal(k[2], (T, NSR), dtype=jnp.float32)
    inp["idx_kj"] = jax.random.randint(k[3], (T,), 0, E, dtype=jnp.int32)
    inp["idx_ji"] = jax.random.randint(k[4], (T,), 0, E, dtype=jnp.int32)
    inp["W_rbf"] = lin_w(k[5], NR, H)
    inp["W_sbf"] = lin_w(k[6], NSR, NB)
    inp["Wkj"] = lin_w(k[7], H, H)
    inp["bkj"] = jnp.zeros((H,), jnp.float32)
    inp["Wji"] = lin_w(k[8], H, H)
    inp["bji"] = jnp.zeros((H,), jnp.float32)
    inp["Wb"] = jax.random.normal(k[9], (H, NB, H), dtype=jnp.float32) * (2.0 / H)
    inp["rb0_W1"] = lin_w(k[10], H, H)
    inp["rb0_b1"] = jnp.zeros((H,), jnp.float32)
    inp["rb0_W2"] = lin_w(k[11], H, H)
    inp["rb0_b2"] = jnp.zeros((H,), jnp.float32)
    inp["Wlin"] = lin_w(k[12], H, H)
    inp["blin"] = jnp.zeros((H,), jnp.float32)
    inp["ra0_W1"] = lin_w(k[13], H, H)
    inp["ra0_b1"] = jnp.zeros((H,), jnp.float32)
    inp["ra0_W2"] = lin_w(k[14], H, H)
    inp["ra0_b2"] = jnp.zeros((H,), jnp.float32)
    inp["ra1_W1"] = lin_w(k[15], H, H)
    inp["ra1_b1"] = jnp.zeros((H,), jnp.float32)
    inp["ra1_W2"] = lin_w(k[16], H, H)
    inp["ra1_b2"] = jnp.zeros((H,), jnp.float32)
    inp["Wout"] = lin_w(k[17], H, OUT)
    inp["bout"] = jnp.zeros((OUT,), jnp.float32)
    return inp


def reference(x, rbf, sbf, idx_kj, idx_ji, W_rbf, W_sbf, Wkj, bkj, Wji, bji, Wb,
              rb0_W1, rb0_b1, rb0_W2, rb0_b2, Wlin, blin,
              ra0_W1, ra0_b1, ra0_W2, ra0_b2, ra1_W1, ra1_b1, ra1_W2, ra1_b2,
              Wout, bout):
    rbf_p = rbf @ W_rbf                      # lin_rbf (no bias, no act)
    sbf_p = sbf @ W_sbf                      # lin_sbf (no bias, no act)
    x_ji = _swish(x @ Wji + bji)             # lin_ji
    x_kj = _swish(x @ Wkj + bkj)             # lin_kj
    x_kj = x_kj * rbf_p
    g = jnp.take(x_kj, idx_kj, axis=0)       # gather triplet source edges [T, H]
    t = jnp.einsum('wj,wl,ijl->wi', sbf_p, g, Wb)
    agg = jax.ops.segment_sum(t, idx_ji, num_segments=x.shape[0])  # scatter-add
    h = x_ji + agg
    # residual layers before skip
    h = h + _swish(_swish(h @ rb0_W1 + rb0_b1) @ rb0_W2 + rb0_b2)
    h = _swish(h @ Wlin + blin) + x
    # residual layers after skip
    h = h + _swish(_swish(h @ ra0_W1 + ra0_b1) @ ra0_W2 + ra0_b2)
    h = h + _swish(_swish(h @ ra1_W1 + ra1_b1) @ ra1_W2 + ra1_b2)
    return _swish(h @ Wout + bout)

if __name__ == "__main__":
    import jax
    _d = setup_inputs()
    print(jax.jit(kernel)(*tuple(_d.values())))

</pallas_src>

<mosaic_0001>
#map = affine_map<(d0, d1) -> (0, 0)>
#map1 = affine_map<(d0, d1) -> (0)>
module attributes {stable_mosaic.version = 14 : i64} {
  func.func @_gather_body(%arg0: i32, %arg1: i32, %arg2: memref<320000x128xf32, #tpu.memory_space<hbm>>, %arg3: memref<640000xi32, #tpu.memory_space<hbm>>, %arg4: memref<640000x128xf32, #tpu.memory_space<hbm>>, %arg5: memref<400xi32, #tpu.memory_space<vmem>>, %arg6: memref<400xi32, #tpu.memory_space<vmem>>, %arg7: memref<400x128xf32, #tpu.memory_space<vmem>>, %arg8: memref<400x128xf32, #tpu.memory_space<vmem>>, %arg9: memref<!tpu.dma_semaphore, #tpu.memory_space<semaphore_mem>>, %arg10: memref<!tpu.dma_semaphore, #tpu.memory_space<semaphore_mem>>) attributes {dimension_semantics = [#tpu.dimension_semantics<core_parallel>, #tpu.dimension_semantics<subcore_parallel>], iteration_bounds = array<i64: 2, 16>, scalar_prefetch = 0 : i64, scratch_operands = 6 : i64, tpu.core_type = #tpu.core_type<sc_vector_subcore>, window_params = [{transform_indices = #map}, {transform_indices = #map1}, {transform_indices = #map}]} {
    %mul3A = arith.constant 2 : i32
    %mul3A_0 = arith.muli %arg1, %mul3A : i32
    %add3A = arith.addi %mul3A_0, %arg0 : i32
    %mul3A_1 = arith.constant 20000 : i32
    %mul3A_2 = arith.muli %add3A, %mul3A_1 : i32
    "tpu.region"() ({
      %run_scoped3A = tpu.sem_alloc : memref<!tpu.dma_semaphore, #tpu.memory_space<semaphore_mem>>
      %dma_start3A_10 = tpu.memref_slice %arg3[%mul3A_2] : memref<640000xi32, #tpu.memory_space<hbm>> -> memref<400xi32, #tpu.memory_space<hbm>>
      %dma_start3A_11 = tpu.memref_slice %arg3[%mul3A_2] : memref<640000xi32, #tpu.memory_space<hbm>> -> memref<400xi32, #tpu.memory_space<hbm>>
      tpu.enqueue_dma source(%dma_start3A_11 : memref<400xi32, #tpu.memory_space<hbm>>) target(%arg5 : memref<400xi32, #tpu.memory_space<vmem>>) target_semaphore(%run_scoped3A : memref<!tpu.dma_semaphore, #tpu.memory_space<semaphore_mem>>)
      %dma_wait3A = tpu.memref_slice %arg3[%mul3A_2] : memref<640000xi32, #tpu.memory_space<hbm>> -> memref<400xi32, #tpu.memory_space<hbm>>
      %dma_wait3A_12 = tpu.memref_slice %arg3[%mul3A_2] : memref<640000xi32, #tpu.memory_space<hbm>> -> memref<400xi32, #tpu.memory_space<hbm>>
      tpu.wait_dma2 semaphore(%run_scoped3A : memref<!tpu.dma_semaphore, #tpu.memory_space<semaphore_mem>>) src(%dma_wait3A_12 : memref<400xi32, #tpu.memory_space<hbm>>) dst(%arg5 : memref<400xi32, #tpu.memory_space<vmem>>)
      tpu.yield
    }) : () -> ()
    %dma_start3A = arith.constant 0 : i32
    %dma_start3A_3 = arith.constant 0 : i32
    %dma_start3A_4 = tpu.memref_slice %arg2[%dma_start3A, %dma_start3A_3] : memref<320000x128xf32, #tpu.memory_space<hbm>> -> memref<320000x128xf32, #tpu.memory_space<hbm>>
    tpu.enqueue_indirect_dma source(%dma_start3A_4 : memref<320000x128xf32, #tpu.memory_space<hbm>>) target(%arg7 : memref<400x128xf32, #tpu.memory_space<vmem>>) offsets(%arg5 : memref<400xi32, #tpu.memory_space<vmem>>) semaphore(%arg9 : memref<!tpu.dma_semaphore, #tpu.memory_space<semaphore_mem>>)
    %scan3A = arith.constant 0 : i32
    %scan3A_5 = arith.constant 0 : i32
    %scan3A_6 = arith.constant 25 : i32
    %scan3A_7 = arith.addi %scan3A_5, %scan3A_6 : i32
    %scan3A_8 = arith.constant 1 : i32
    scf.for %scan3A_10 = %scan3A_5 to %scan3A_7 step %scan3A_8  : i32 {
      %mul3A_11 = arith.constant 2 : i32
      %mul3A_12 = arith.muli %mul3A_11, %scan3A_10 : i32
      %mul3A_13 = arith.constant 2 : i32
      %mul3A_14 = arith.muli %mul3A_13, %scan3A_10 : i32
      %add3A_15 = arith.constant 1 : i32
      %add3A_16 = arith.addi %mul3A_14, %add3A_15 : i32
      %mul3A_17 = arith.constant 400 : i32
      %mul3A_18 = arith.muli %add3A_16, %mul3A_17 : i32
      %add3A_19 = arith.addi %mul3A_2, %mul3A_18 : i32
      "tpu.region"() ({
        %run_scoped3A = tpu.sem_alloc : memref<!tpu.dma_semaphore, #tpu.memory_space<semaphore_mem>>
        %dma_start3A_38 = tpu.memref_slice %arg3[%add3A_19] : memref<640000xi32, #tpu.memory_space<hbm>> -> memref<400xi32, #tpu.memory_space<hbm>>
        %dma_start3A_39 = tpu.memref_slice %arg3[%add3A_19] : memref<640000xi32, #tpu.memory_space<hbm>> -> memref<400xi32, #tpu.memory_space<hbm>>
        tpu.enqueue_dma source(%dma_start3A_39 : memref<400xi32, #tpu.memory_space<hbm>>) target(%arg6 : memref<400xi32, #tpu.memory_space<vmem>>) target_semaphore(%run_scoped3A : memref<!tpu.dma_semaphore, #tpu.memory_space<semaphore_mem>>)
        %dma_wait3A_40 = tpu.memref_slice %arg3[%add3A_19] : memref<640000xi32, #tpu.memory_space<hbm>> -> memref<400xi32, #tpu.memory_space<hbm>>
        %dma_wait3A_41 = tpu.memref_slice %arg3[%add3A_19] : memref<640000xi32, #tpu.memory_space<hbm>> -> memref<400xi32, #tpu.memory_space<hbm>>
        tpu.wait_dma2 semaphore(%run_scoped3A : memref<!tpu.dma_semaphore, #tpu.memory_space<semaphore_mem>>) src(%dma_wait3A_41 : memref<400xi32, #tpu.memory_space<hbm>>) dst(%arg6 : memref<400xi32, #tpu.memory_space<vmem>>)
        tpu.yield
      }) : () -> ()
      %dma_start3A_20 = arith.constant 0 : i32
      %dma_start3A_21 = arith.constant 0 : i32
      %dma_start3A_22 = tpu.memref_slice %arg2[%dma_start3A_20, %dma_start3A_21] : memref<320000x128xf32, #tpu.memory_space<hbm>> -> memref<320000x128xf32, #tpu.memory_space<hbm>>
      tpu.enqueue_indirect_dma source(%dma_start3A_22 : memref<320000x128xf32, #tpu.memory_space<hbm>>) target(%arg8 : memref<400x128xf32, #tpu.memory_space<vmem>>) offsets(%arg6 : memref<400xi32, #tpu.memory_space<vmem>>) semaphore(%arg10 : memref<!tpu.dma_semaphore, #tpu.memory_space<semaphore_mem>>)
      %dma_wait3A = arith.constant 0 : i32
      %dma_wait3A_23 = arith.constant 0 : i32
      %dma_wait3A_24 = tpu.memref_slice %arg2[%dma_wait3A, %dma_wait3A_23] : memref<320000x128xf32, #tpu.memory_space<hbm>> -> memref<320000x128xf32, #tpu.memory_space<hbm>>
      tpu.wait_indirect_dma semaphore(%arg9 : memref<!tpu.dma_semaphore, #tpu.memory_space<semaphore_mem>>) src(%dma_wait3A_24 : memref<320000x128xf32, #tpu.memory_space<hbm>>) dst(%arg7 : memref<400x128xf32, #tpu.memory_space<vmem>>)
      %mul3A_25 = arith.constant 400 : i32
      %mul3A_26 = arith.muli %mul3A_12, %mul3A_25 : i32
      %add3A_27 = arith.addi %mul3A_2, %mul3A_26 : i32
      "tpu.region"() ({
        %run_scoped3A = tpu.sem_alloc : memref<!tpu.dma_semaphore, #tpu.memory_space<semaphore_mem>>
        %dma_start3A_38 = arith.constant 0 : i32
        %dma_start3A_39 = tpu.memref_slice %arg4[%add3A_27, %dma_start3A_38] : memref<640000x128xf32, #tpu.memory_space<hbm>> -> memref<400x128xf32, #tpu.memory_space<hbm>>
        %dma_start3A_40 = arith.constant 0 : i32
        %dma_start3A_41 = tpu.memref_slice %arg4[%add3A_27, %dma_start3A_40] : memref<640000x128xf32, #tpu.memory_space<hbm>> -> memref<400x128xf32, #tpu.memory_space<hbm>>
        tpu.enqueue_dma source(%arg7 : memref<400x128xf32, #tpu.memory_space<vmem>>) target(%dma_start3A_41 : memref<400x128xf32, #tpu.memory_space<hbm>>) target_semaphore(%run_scoped3A : memref<!tpu.dma_semaphore, #tpu.memory_space<semaphore_mem>>)
        %dma_wait3A_42 = arith.constant 0 : i32
        %dma_wait3A_43 = tpu.memref_slice %arg4[%add3A_27, %dma_wait3A_42] : memref<640000x128xf32, #tpu.memory_space<hbm>> -> memref<400x128xf32, #tpu.memory_space<hbm>>
        %dma_wait3A_44 = arith.constant 0 : i32
        %dma_wait3A_45 = tpu.memref_slice %arg4[%add3A_27, %dma_wait3A_44] : memref<640000x128xf32, #tpu.memory_space<hbm>> -> memref<400x128xf32, #tpu.memory_space<hbm>>
        tpu.wait_dma2 semaphore(%run_scoped3A : memref<!tpu.dma_semaphore, #tpu.memory_space<semaphore_mem>>) src(%arg7 : memref<400x128xf32, #tpu.memory_space<vmem>>) dst(%dma_wait3A_45 : memref<400x128xf32, #tpu.memory_space<hbm>>)
        tpu.yield
      }) : () -> ()
      %add3A_28 = arith.constant 1 : i32
      %add3A_29 = arith.addi %add3A_16, %add3A_28 : i32
      %lt3A = arith.constant 50 : i32
      %lt3A_30 = arith.cmpi slt, %add3A_29, %lt3A : i32
      %convert_element_type3A = arith.extui %lt3A_30 : i1 to i32
      %cond3A = arith.constant 0 : i32
      %cond3A_31 = arith.cmpi ne, %convert_element_type3A, %cond3A : i32
      scf.if %cond3A_31 {
        %add3A_38 = arith.constant 1 : i32
        %add3A_39 = arith.addi %add3A_16, %add3A_38 : i32
        %mul3A_40 = arith.constant 400 : i32
        %mul3A_41 = arith.muli %add3A_39, %mul3A_40 : i32
        %add3A_42 = arith.addi %mul3A_2, %mul3A_41 : i32
        "tpu.region"() ({
          %run_scoped3A = tpu.sem_alloc : memref<!tpu.dma_semaphore, #tpu.memory_space<semaphore_mem>>
          %dma_start3A_46 = tpu.memref_slice %arg3[%add3A_42] : memref<640000xi32, #tpu.memory_space<hbm>> -> memref<400xi32, #tpu.memory_space<hbm>>
          %dma_start3A_47 = tpu.memref_slice %arg3[%add3A_42] : memref<640000xi32, #tpu.memory_space<hbm>> -> memref<400xi32, #tpu.memory_space<hbm>>
          tpu.enqueue_dma source(%dma_start3A_47 : memref<400xi32, #tpu.memory_space<hbm>>) target(%arg5 : memref<400xi32, #tpu.memory_space<vmem>>) target_semaphore(%run_scoped3A : memref<!tpu.dma_semaphore, #tpu.memory_space<semaphore_mem>>)
          %dma_wait3A_48 = tpu.memref_slice %arg3[%add3A_42] : memref<640000xi32, #tpu.memory_space<hbm>> -> memref<400xi32, #tpu.memory_space<hbm>>
          %dma_wait3A_49 = tpu.memref_slice %arg3[%add3A_42] : memref<640000xi32, #tpu.memory_space<hbm>> -> memref<400xi32, #tpu.memory_space<hbm>>
          tpu.wait_dma2 semaphore(%run_scoped3A : memref<!tpu.dma_semaphore, #tpu.memory_space<semaphore_mem>>) src(%dma_wait3A_49 : memref<400xi32, #tpu.memory_space<hbm>>) dst(%arg5 : memref<400xi32, #tpu.memory_space<vmem>>)
          tpu.yield
        }) : () -> ()
        %dma_start3A_43 = arith.constant 0 : i32
        %dma_start3A_44 = arith.constant 0 : i32
        %dma_start3A_45 = tpu.memref_slice %arg2[%dma_start3A_43, %dma_start3A_44] : memref<320000x128xf32, #tpu.memory_space<hbm>> -> memref<320000x128xf32, #tpu.memory_space<hbm>>
        tpu.enqueue_indirect_dma source(%dma_start3A_45 : memref<320000x128xf32, #tpu.memory_space<hbm>>) target(%arg7 : memref<400x128xf32, #tpu.memory_space<vmem>>) offsets(%arg5 : memref<400xi32, #tpu.memory_space<vmem>>) semaphore(%arg9 : memref<!tpu.dma_semaphore, #tpu.memory_space<semaphore_mem>>)
      } else {
      }
      %dma_wait3A_32 = arith.constant 0 : i32
      %dma_wait3A_33 = arith.constant 0 : i32
      %dma_wait3A_34 = tpu.memref_slice %arg2[%dma_wait3A_32, %dma_wait3A_33] : memref<320000x128xf32, #tpu.memory_space<hbm>> -> memref<320000x128xf32, #tpu.memory_space<hbm>>
      tpu.wait_indirect_dma semaphore(%arg10 : memref<!tpu.dma_semaphore, #tpu.memory_space<semaphore_mem>>) src(%dma_wait3A_34 : memref<320000x128xf32, #tpu.memory_space<hbm>>) dst(%arg8 : memref<400x128xf32, #tpu.memory_space<vmem>>)
      %mul3A_35 = arith.constant 400 : i32
      %mul3A_36 = arith.muli %add3A_16, %mul3A_35 : i32
      %add3A_37 = arith.addi %mul3A_2, %mul3A_36 : i32
      "tpu.region"() ({
        %run_scoped3A = tpu.sem_alloc : memref<!tpu.dma_semaphore, #tpu.memory_space<semaphore_mem>>
        %dma_start3A_38 = arith.constant 0 : i32
        %dma_start3A_39 = tpu.memref_slice %arg4[%add3A_37, %dma_start3A_38] : memref<640000x128xf32, #tpu.memory_space<hbm>> -> memref<400x128xf32, #tpu.memory_space<hbm>>
        %dma_start3A_40 = arith.constant 0 : i32
        %dma_start3A_41 = tpu.memref_slice %arg4[%add3A_37, %dma_start3A_40] : memref<640000x128xf32, #tpu.memory_space<hbm>> -> memref<400x128xf32, #tpu.memory_space<hbm>>
        tpu.enqueue_dma source(%arg8 : memref<400x128xf32, #tpu.memory_space<vmem>>) target(%dma_start3A_41 : memref<400x128xf32, #tpu.memory_space<hbm>>) target_semaphore(%run_scoped3A : memref<!tpu.dma_semaphore, #tpu.memory_space<semaphore_mem>>)
        %dma_wait3A_42 = arith.constant 0 : i32
        %dma_wait3A_43 = tpu.memref_slice %arg4[%add3A_37, %dma_wait3A_42] : memref<640000x128xf32, #tpu.memory_space<hbm>> -> memref<400x128xf32, #tpu.memory_space<hbm>>
        %dma_wait3A_44 = arith.constant 0 : i32
        %dma_wait3A_45 = tpu.memref_slice %arg4[%add3A_37, %dma_wait3A_44] : memref<640000x128xf32, #tpu.memory_space<hbm>> -> memref<400x128xf32, #tpu.memory_space<hbm>>
        tpu.wait_dma2 semaphore(%run_scoped3A : memref<!tpu.dma_semaphore, #tpu.memory_space<semaphore_mem>>) src(%arg8 : memref<400x128xf32, #tpu.memory_space<vmem>>) dst(%dma_wait3A_45 : memref<400x128xf32, #tpu.memory_space<hbm>>)
        tpu.yield
      }) : () -> ()
    }
    %scan3A_9 = arith.constant 25 : i32
    return
  }
}

#map = affine_map<(d0, d1) -> (0, 0)>
#map1 = affine_map<(d0, d1) -> (0)>
module attributes {stable_mosaic.version = 14 : i64} {
  func.func @_scatter_body(%arg0: i32, %arg1: i32, %arg2: memref<640000x128xf32, #tpu.memory_space<hbm>>, %arg3: memref<640000xi32, #tpu.memory_space<hbm>>, %arg4: memref<320000x128xf32, #tpu.memory_space<hbm>>, %arg5: memref<320000x128xf32, #tpu.memory_space<hbm>>, %arg6: memref<1600xi32, #tpu.memory_space<vmem>>, %arg7: memref<160xi32, #tpu.memory_space<vmem>>, %arg8: memref<160xi32, #tpu.memory_space<vmem>>, %arg9: memref<160xi32, #tpu.memory_space<vmem>>, %arg10: memref<160xi32, #tpu.memory_space<vmem>>, %arg11: memref<160x128xf32, #tpu.memory_space<vmem>>, %arg12: memref<13448x128xf32, #tpu.memory_space<vmem_shared>>, %arg13: memref<!tpu.dma_semaphore, #tpu.memory_space<semaphore_mem>>) attributes {dimension_semantics = [#tpu.dimension_semantics<core_parallel>, #tpu.dimension_semantics<subcore_parallel>], iteration_bounds = array<i64: 2, 16>, scalar_prefetch = 0 : i64, scratch_operands = 8 : i64, tpu.core_type = #tpu.core_type<sc_vector_subcore>, window_params = [{transform_indices = #map}, {transform_indices = #map1}, {transform_indices = #map}, {transform_indices = #map}]} {
    %broadcast_in_dim3A = arith.constant 0 : i32
    %broadcast_in_dim3A_0 = vector.broadcast %broadcast_in_dim3A : i32 to vector<16xi32>
    %swap3A = arith.constant 0 : index
    %swap3A_1 = tpu.vector_load %arg7[%swap3A] {strides = array<i32>} : memref<160xi32, #tpu.memory_space<vmem>>, vector<16xi32>,
    tpu.vector_store %arg7[%swap3A], %broadcast_in_dim3A_0 {strides = array<i32>} : memref<160xi32, #tpu.memory_space<vmem>>, vector<16xi32>,
    %swap3A_2 = arith.constant 16 : index
    %swap3A_3 = tpu.vector_load %arg7[%swap3A_2] {strides = array<i32>} : memref<160xi32, #tpu.memory_space<vmem>>, vector<16xi32>,
    tpu.vector_store %arg7[%swap3A_2], %broadcast_in_dim3A_0 {strides = array<i32>} : memref<160xi32, #tpu.memory_space<vmem>>, vector<16xi32>,
    %swap3A_4 = arith.constant 32 : index
    %swap3A_5 = tpu.vector_load %arg7[%swap3A_4] {strides = array<i32>} : memref<160xi32, #tpu.memory_space<vmem>>, vector<16xi32>,
    tpu.vector_store %arg7[%swap3A_4], %broadcast_in_dim3A_0 {strides = array<i32>} : memref<160xi32, #tpu.memory_space<vmem>>, vector<16xi32>,
    %swap3A_6 = arith.constant 48 : index
    %swap3A_7 = tpu.vector_load %arg7[%swap3A_6] {strides = array<i32>} : memref<160xi32, #tpu.memory_space<vmem>>, vector<16xi32>,
    tpu.vector_store %arg7[%swap3A_6], %broadcast_in_dim3A_0 {strides = array<i32>} : memref<160xi32, #tpu.memory_space<vmem>>, vector<16xi32>,
    %swap3A_8 = arith.constant 64 : index
    %swap3A_9 = tpu.vector_load %arg7[%swap3A_8] {strides = array<i32>} : memref<160xi32, #tpu.memory_space<vmem>>, vector<16xi32>,
    tpu.vector_store %arg7[%swap3A_8], %broadcast_in_dim3A_0 {strides = array<i32>} : memref<160xi32, #tpu.memory_space<vmem>>, vector<16xi32>,
    %swap3A_10 = arith.constant 80 : index
    %swap3A_11 = tpu.vector_load %arg7[%swap3A_10] {strides = array<i32>} : memref<160xi32, #tpu.memory_space<vmem>>, vector<16xi32>,
    tpu.vector_store %arg7[%swap3A_10], %broadcast_in_dim3A_0 {strides = array<i32>} : memref<160xi32, #tpu.memory_space<vmem>>, vector<16xi32>,
    %swap3A_12 = arith.constant 96 : index
    %swap3A_13 = tpu.vector_load %arg7[%swap3A_12] {strides = array<i32>} : memref<160xi32, #tpu.memory_space<vmem>>, vector<16xi32>,
    tpu.vector_store %arg7[%swap3A_12], %broadcast_in_dim3A_0 {strides = array<i32>} : memref<160xi32, #tpu.memory_space<vmem>>, vector<16xi32>,
    %swap3A_14 = arith.constant 112 : index
    %swap3A_15 = tpu.vector_load %arg7[%swap3A_14] {strides = array<i32>} : memref<160xi32, #tpu.memory_space<vmem>>, vector<16xi32>,
    tpu.vector_store %arg7[%swap3A_14], %broadcast_in_dim3A_0 {strides = array<i32>} : memref<160xi32, #tpu.memory_space<vmem>>, vector<16xi32>,
    %swap3A_16 = arith.constant 128 : index
    %swap3A_17 = tpu.vector_load %arg7[%swap3A_16] {strides = array<i32>} : memref<160xi32, #tpu.memory_space<vmem>>, vector<16xi32>,
    tpu.vector_store %arg7[%swap3A_16], %broadcast_in_dim3A_0 {strides = array<i32>} : memref<160xi32, #tpu.memory_space<vmem>>, vector<16xi32>,
    %swap3A_18 = arith.constant 144 : index
    %swap3A_19 = tpu.vector_load %arg7[%swap3A_18] {strides = array<i32>} : memref<160xi32, #tpu.memory_space<vmem>>, vector<16xi32>,
    tpu.vector_store %arg7[%swap3A_18], %broadcast_in_dim3A_0 {strides = array<i32>} : memref<160xi32, #tpu.memory_space<vmem>>, vector<16xi32>,
    %iota3A = tpu.iota {dimensions = array<i32: 0>} : vector<16xi32>
    %broadcast_in_dim3A_20 = arith.constant 13440 : i32
    %broadcast_in_dim3A_21 = vector.broadcast %broadcast_in_dim3A_20 : i32 to vector<16xi32>
    %scan3A = arith.constant 0 : i32
    %scan3A_22 = arith.constant 0 : i32
    %scan3A_23 = arith.constant 12 : i32
    %scan3A_24 = arith.addi %scan3A_22, %scan3A_23 : i32
    %scan3A_25 = arith.constant 1 : i32
    scf.for %scan3A_27 = %scan3A_22 to %scan3A_24 step %scan3A_25  : i32 {
      %mul3A = arith.constant 2 : i32
      %mul3A_28 = arith.muli %scan3A_27, %mul3A : i32
      %add3A = arith.addi %mul3A_28, %arg0 : i32
      %mul3A_29 = arith.constant 13440 : i32
      %mul3A_30 = arith.muli %add3A, %mul3A_29 : i32
      %min3A = arith.constant 306560 : i32
      %min3A_31 = arith.minsi %mul3A_30, %min3A : i32
      %mul3A_32 = arith.constant 840 : i32
      %mul3A_33 = arith.muli %arg1, %mul3A_32 : i32
      %add3A_34 = arith.addi %min3A_31, %mul3A_33 : i32
      %mul3A_35 = arith.constant 840 : i32
      %mul3A_36 = arith.muli %arg1, %mul3A_35 : i32
      "tpu.region"() ({
        %run_scoped3A = tpu.sem_alloc : memref<!tpu.dma_semaphore, #tpu.memory_space<semaphore_mem>>
        %dma_start3A = arith.constant 0 : i32
        %dma_start3A_60 = tpu.memref_slice %arg12[%mul3A_36, %dma_start3A] : memref<13448x128xf32, #tpu.memory_space<vmem_shared>> -> memref<840x128xf32, #tpu.memory_space<vmem_shared>>
        %dma_start3A_61 = arith.constant 0 : i32
        %dma_start3A_62 = tpu.memref_slice %arg4[%add3A_34, %dma_start3A_61] : memref<320000x128xf32, #tpu.memory_space<hbm>> -> memref<840x128xf32, #tpu.memory_space<hbm>>
        tpu.enqueue_dma source(%dma_start3A_62 : memref<840x128xf32, #tpu.memory_space<hbm>>) target(%dma_start3A_60 : memref<840x128xf32, #tpu.memory_space<vmem_shared>>) target_semaphore(%run_scoped3A : memref<!tpu.dma_semaphore, #tpu.memory_space<semaphore_mem>>)
        %dma_wait3A = arith.constant 0 : i32
        %dma_wait3A_63 = tpu.memref_slice %arg12[%mul3A_36, %dma_wait3A] : memref<13448x128xf32, #tpu.memory_space<vmem_shared>> -> memref<840x128xf32, #tpu.memory_space<vmem_shared>>
        %dma_wait3A_64 = arith.constant 0 : i32
        %dma_wait3A_65 = tpu.memref_slice %arg4[%add3A_34, %dma_wait3A_64] : memref<320000x128xf32, #tpu.memory_space<hbm>> -> memref<840x128xf32, #tpu.memory_space<hbm>>
        tpu.wait_dma2 semaphore(%run_scoped3A : memref<!tpu.dma_semaphore, #tpu.memory_space<semaphore_mem>>) src(%dma_wait3A_65 : memref<840x128xf32, #tpu.memory_space<hbm>>) dst(%dma_wait3A_63 : memref<840x128xf32, #tpu.memory_space<vmem_shared>>)
        tpu.yield
      }) : () -> ()
      %barrier3A = arith.constant 0 : index
      tpu.barrier barrier_id(%barrier3A)
      %broadcast_in_dim3A_37 = vector.broadcast %min3A_31 : i32 to vector<16xi32>
      %scan3A_38 = arith.constant 0 : i32
      %scan3A_39 = arith.constant 0 : i32
      %scan3A_40 = arith.constant 0 : i32
      %scan3A_41 = arith.constant 25 : i32
      %scan3A_42 = arith.addi %scan3A_40, %scan3A_41 : i32
      %scan3A_43 = arith.constant 1 : i32
      %scan3A_44:2 = scf.for %scan3A_60 = %scan3A_40 to %scan3A_42 step %scan3A_43 iter_args(%scan3A_61 = %scan3A_38, %scan3A_62 = %scan3A_39) -> (i32, i32)  : i32 {
        %mul3A_63 = arith.constant 40000 : i32
        %mul3A_64 = arith.muli %arg1, %mul3A_63 : i32
        %mul3A_65 = arith.constant 1600 : i32
        %mul3A_66 = arith.muli %scan3A_60, %mul3A_65 : i32
        %add3A_67 = arith.addi %mul3A_64, %mul3A_66 : i32
        "tpu.region"() ({
          %run_scoped3A = tpu.sem_alloc : memref<!tpu.dma_semaphore, #tpu.memory_space<semaphore_mem>>
          %dma_start3A = tpu.memref_slice %arg3[%add3A_67] : memref<640000xi32, #tpu.memory_space<hbm>> -> memref<1600xi32, #tpu.memory_space<hbm>>
          %dma_start3A_74 = tpu.memref_slice %arg3[%add3A_67] : memref<640000xi32, #tpu.memory_space<hbm>> -> memref<1600xi32, #tpu.memory_space<hbm>>
          tpu.enqueue_dma source(%dma_start3A_74 : memref<1600xi32, #tpu.memory_space<hbm>>) target(%arg6 : memref<1600xi32, #tpu.memory_space<vmem>>) target_semaphore(%run_scoped3A : memref<!tpu.dma_semaphore, #tpu.memory_space<semaphore_mem>>)
          %dma_wait3A = tpu.memref_slice %arg3[%add3A_67] : memref<640000xi32, #tpu.memory_space<hbm>> -> memref<1600xi32, #tpu.memory_space<hbm>>
          %dma_wait3A_75 = tpu.memref_slice %arg3[%add3A_67] : memref<640000xi32, #tpu.memory_space<hbm>> -> memref<1600xi32, #tpu.memory_space<hbm>>
          tpu.wait_dma2 semaphore(%run_scoped3A : memref<!tpu.dma_semaphore, #tpu.memory_space<semaphore_mem>>) src(%dma_wait3A_75 : memref<1600xi32, #tpu.memory_space<hbm>>) dst(%arg6 : memref<1600xi32, #tpu.memory_space<vmem>>)
          tpu.yield
        }) : () -> ()
        %scan3A_68 = arith.constant 0 : i32
        %scan3A_69 = arith.constant 100 : i32
        %scan3A_70 = arith.addi %scan3A_68, %scan3A_69 : i32
        %scan3A_71 = arith.constant 1 : i32
        %scan3A_72:2 = scf.for %scan3A_74 = %scan3A_68 to %scan3A_70 step %scan3A_71 iter_args(%scan3A_75 = %scan3A_61, %scan3A_76 = %scan3A_62) -> (i32, i32)  : i32 {
          %mul3A_77 = arith.constant 16 : i32
          %mul3A_78 = arith.muli %scan3A_74, %mul3A_77 : i32
          %get3A = arith.index_cast %mul3A_78 : i32 to index
          %get3A_79 = tpu.vector_load %arg6[%get3A] {strides = array<i32>} : memref<1600xi32, #tpu.memory_space<vmem>>, vector<16xi32>,
          %ge3A = arith.cmpi sge, %get3A_79, %broadcast_in_dim3A_37 : vector<16xi32>
          %add3A_80 = arith.constant 13440 : i32
          %add3A_81 = vector.broadcast %add3A_80 : i32 to vector<16xi32>
          %add3A_82 = arith.addi %broadcast_in_dim3A_37, %add3A_81 : vector<16xi32>
          %lt3A = arith.cmpi slt, %get3A_79, %add3A_82 : vector<16xi32>
          %and3A_83 = arith.andi %ge3A, %lt3A : vector<16xi1>
          %convert_element_type3A_84 = arith.extui %and3A_83 : vector<16xi1> to vector<16xi32>
          %broadcast_in_dim3A_85 = arith.constant true
          %broadcast_in_dim3A_86 = vector.broadcast %broadcast_in_dim3A_85 : i1 to vector<16xi1>
          %masked_cumsum3A = tpu.scan <sum>, %convert_element_type3A_84 masked %broadcast_in_dim3A_86 : vector<16xi32>, vector<16xi1> -> vector<16xi32>
          %broadcast_in_dim3A_87 = vector.broadcast %scan3A_75 : i32 to vector<16xi32>
          %sub3A = arith.constant 1 : i32
          %sub3A_88 = vector.broadcast %sub3A : i32 to vector<16xi32>
          %sub3A_89 = arith.subi %masked_cumsum3A, %sub3A_88 : vector<16xi32>
          %add3A_90 = arith.addi %broadcast_in_dim3A_87, %sub3A_89 : vector<16xi32>
          %mul3A_91 = arith.constant 40000 : i32
          %mul3A_92 = arith.muli %arg1, %mul3A_91 : i32
          %mul3A_93 = arith.constant 1600 : i32
          %mul3A_94 = arith.muli %scan3A_60, %mul3A_93 : i32
          %add3A_95 = arith.addi %mul3A_92, %mul3A_94 : i32
          %mul3A_96 = arith.constant 16 : i32
          %mul3A_97 = arith.muli %scan3A_74, %mul3A_96 : i32
          %add3A_98 = arith.addi %add3A_95, %mul3A_97 : i32
          %broadcast_in_dim3A_99 = vector.broadcast %add3A_98 : i32 to vector<16xi32>
          %add3A_100 = arith.addi %iota3A, %broadcast_in_dim3A_99 : vector<16xi32>
          tpu.vector_store_idx %arg7[%add3A_90], %add3A_100 masked %and3A_83 : memref<160xi32, #tpu.memory_space<vmem>>[vector<16xi32>], vector<16xi32>, vector<16xi1>
          %sub3A_101 = arith.subi %get3A_79, %broadcast_in_dim3A_37 : vector<16xi32>
          tpu.vector_store_idx %arg8[%add3A_90], %sub3A_101 masked %and3A_83 : memref<160xi32, #tpu.memory_space<vmem>>[vector<16xi32>], vector<16xi32>, vector<16xi1>
          %reduce_sum3A = arith.constant true
          %reduce_sum3A_102 = vector.broadcast %reduce_sum3A : i1 to vector<16xi1>
          %reduce_sum3A_103 = tpu.scan <sum>, %convert_element_type3A_84 masked %reduce_sum3A_102 : vector<16xi32>, vector<16xi1> -> vector<16xi32>
          %reduce_sum3A_104 = vector.extract %reduce_sum3A_103[15] : i32 from vector<16xi32>
          %add3A_105 = arith.addi %scan3A_75, %reduce_sum3A_104 : i32
          %gt3A_106 = arith.constant 144 : i32
          %gt3A_107 = arith.cmpi sgt, %add3A_105, %gt3A_106 : i32
          %convert_element_type3A_108 = arith.extui %gt3A_107 : i1 to i32
          %cond3A_109 = arith.constant 0 : i32
          %cond3A_110 = arith.cmpi ne, %convert_element_type3A_108, %cond3A_109 : i32
          scf.if %cond3A_110 {
            %eq3A_113 = arith.constant 1 : i32
            %eq3A_114 = arith.cmpi eq, %scan3A_76, %eq3A_113 : i32
            %convert_element_type3A_115 = arith.extui %eq3A_114 : i1 to i32
            %cond3A_116 = arith.constant 0 : i32
            %cond3A_117 = arith.cmpi ne, %convert_element_type3A_115, %cond3A_116 : i32
            scf.if %cond3A_117 {
              %dma_wait3A = arith.constant 0 : i32
              %dma_wait3A_251 = arith.constant 0 : i32
              %dma_wait3A_252 = tpu.memref_slice %arg2[%dma_wait3A, %dma_wait3A_251] : memref<640000x128xf32, #tpu.memory_space<hbm>> -> memref<640000x128xf32, #tpu.memory_space<hbm>>
              tpu.wait_indirect_dma semaphore(%arg13 : memref<!tpu.dma_semaphore, #tpu.memory_space<semaphore_mem>>) src(%dma_wait3A_252 : memref<640000x128xf32, #tpu.memory_space<hbm>>) dst(%arg11 : memref<160x128xf32, #tpu.memory_space<vmem>>)
              "tpu.region"() ({
                %run_scoped3A = tpu.sem_alloc : memref<!tpu.dma_semaphore, #tpu.memory_space<semaphore_mem>>
                %dma_start3A_253 = arith.constant 0 : i32
                %dma_start3A_254 = arith.constant 0 : i32
                %dma_start3A_255 = tpu.memref_slice %arg12[%dma_start3A_253, %dma_start3A_254] : memref<13448x128xf32, #tpu.memory_space<vmem_shared>> -> memref<13448x128xf32, #tpu.memory_space<vmem_shared>>
                tpu.enqueue_indirect_dma source(%arg11 : memref<160x128xf32, #tpu.memory_space<vmem>>) target(%dma_start3A_255 : memref<13448x128xf32, #tpu.memory_space<vmem_shared>>) offsets(%arg10 : memref<160xi32, #tpu.memory_space<vmem>>) semaphore(%run_scoped3A : memref<!tpu.dma_semaphore, #tpu.memory_space<semaphore_mem>>) {add = true}
                %dma_wait3A_256 = arith.constant 0 : i32
                %dma_wait3A_257 = arith.constant 0 : i32
                %dma_wait3A_258 = tpu.memref_slice %arg12[%dma_wait3A_256, %dma_wait3A_257] : memref<13448x128xf32, #tpu.memory_space<vmem_shared>> -> memref<13448x128xf32, #tpu.memory_space<vmem_shared>>
                tpu.wait_indirect_dma semaphore(%run_scoped3A : memref<!tpu.dma_semaphore, #tpu.memory_space<semaphore_mem>>) src(%arg11 : memref<160x128xf32, #tpu.memory_space<vmem>>) dst(%dma_wait3A_258 : memref<13448x128xf32, #tpu.memory_space<vmem_shared>>)
                tpu.yield
              }) : () -> ()
            } else {
            }
            %broadcast_in_dim3A_118 = vector.broadcast %add3A_105 : i32 to vector<16xi32>
            %get3A_119 = arith.constant 0 : index
            %get3A_120 = tpu.vector_load %arg8[%get3A_119] {strides = array<i32>} : memref<160xi32, #tpu.memory_space<vmem>>, vector<16xi32>,
            %add3A_121 = arith.constant 0 : i32
            %add3A_122 = vector.broadcast %add3A_121 : i32 to vector<16xi32>
            %add3A_123 = arith.addi %iota3A, %add3A_122 : vector<16xi32>
            %lt3A_124 = arith.cmpi slt, %add3A_123, %broadcast_in_dim3A_118 : vector<16xi32>
            %select_n3A_125 = arith.select %lt3A_124, %get3A_120, %broadcast_in_dim3A_21 : vector<16xi1>, vector<16xi32>
            %swap3A_126 = arith.constant 0 : index
            %swap3A_127 = tpu.vector_load %arg10[%swap3A_126] {strides = array<i32>} : memref<160xi32, #tpu.memory_space<vmem>>, vector<16xi32>,
            tpu.vector_store %arg10[%swap3A_126], %select_n3A_125 {strides = array<i32>} : memref<160xi32, #tpu.memory_space<vmem>>, vector<16xi32>,
            %get3A_128 = arith.constant 0 : index
            %get3A_129 = tpu.vector_load %arg7[%get3A_128] {strides = array<i32>} : memref<160xi32, #tpu.memory_space<vmem>>, vector<16xi32>,
            %swap3A_130 = arith.constant 0 : index
            %swap3A_131 = tpu.vector_load %arg9[%swap3A_130] {strides = array<i32>} : memref<160xi32, #tpu.memory_space<vmem>>, vector<16xi32>,
            tpu.vector_store %arg9[%swap3A_130], %get3A_129 {strides = array<i32>} : memref<160xi32, #tpu.memory_space<vmem>>, vector<16xi32>,
            %get3A_132 = arith.constant 16 : index
            %get3A_133 = tpu.vector_load %arg8[%get3A_132] {strides = array<i32>} : memref<160xi32, #tpu.memory_space<vmem>>, vector<16xi32>,
            %add3A_134 = arith.constant 16 : i32
            %add3A_135 = vector.broadcast %add3A_134 : i32 to vector<16xi32>
            %add3A_136 = arith.addi %iota3A, %add3A_135 : vector<16xi32>
            %lt3A_137 = arith.cmpi slt, %add3A_136, %broadcast_in_dim3A_118 : vector<16xi32>
            %select_n3A_138 = arith.select %lt3A_137, %get3A_133, %broadcast_in_dim3A_21 : vector<16xi1>, vector<16xi32>
            %swap3A_139 = arith.constant 16 : index
            %swap3A_140 = tpu.vector_load %arg10[%swap3A_139] {strides = array<i32>} : memref<160xi32, #tpu.memory_space<vmem>>, vector<16xi32>,
            tpu.vector_store %arg10[%swap3A_139], %select_n3A_138 {strides = array<i32>} : memref<160xi32, #tpu.memory_space<vmem>>, vector<16xi32>,
            %get3A_141 = arith.constant 16 : index
            %get3A_142 = tpu.vector_load %arg7[%get3A_141] {strides = array<i32>} : memref<160xi32, #tpu.memory_space<vmem>>, vector<16xi32>,
            %swap3A_143 = arith.constant 16 : index
            %swap3A_144 = tpu.vector_load %arg9[%swap3A_143] {strides = array<i32>} : memref<160xi32, #tpu.memory_space<vmem>>, vector<16xi32>,
            tpu.vector_store %arg9[%swap3A_143], %get3A_142 {strides = array<i32>} : memref<160xi32, #tpu.memory_space<vmem>>, vector<16xi32>,
            %get3A_145 = arith.constant 32 : index
            %get3A_146 = tpu.vector_load %arg8[%get3A_145] {strides = array<i32>} : memref<160xi32, #tpu.memory_space<vmem>>, vector<16xi32>,
            %add3A_147 = arith.constant 32 : i32
            %add3A_148 = vector.broadcast %add3A_147 : i32 to vector<16xi32>
            %add3A_149 = arith.addi %iota3A, %add3A_148 : vector<16xi32>
            %lt3A_150 = arith.cmpi slt, %add3A_149, %broadcast_in_dim3A_118 : vector<16xi32>
            %select_n3A_151 = arith.select %lt3A_150, %get3A_146, %broadcast_in_dim3A_21 : vector<16xi1>, vector<16xi32>
            %swap3A_152 = arith.constant 32 : index
            %swap3A_153 = tpu.vector_load %arg10[%swap3A_152] {strides = array<i32>} : memref<160xi32, #tpu.memory_space<vmem>>, vector<16xi32>,
            tpu.vector_store %arg10[%swap3A_152], %select_n3A_151 {strides = array<i32>} : memref<160xi32, #tpu.memory_space<vmem>>, vector<16xi32>,
            %get3A_154 = arith.constant 32 : index
            %get3A_155 = tpu.vector_load %arg7[%get3A_154] {strides = array<i32>} : memref<160xi32, #tpu.memory_space<vmem>>, vector<16xi32>,
            %swap3A_156 = arith.constant 32 : index
            %swap3A_157 = tpu.vector_load %arg9[%swap3A_156] {strides = array<i32>} : memref<160xi32, #tpu.memory_space<vmem>>, vector<16xi32>,
            tpu.vector_store %arg9[%swap3A_156], %get3A_155 {strides = array<i32>} : memref<160xi32, #tpu.memory_space<vmem>>, vector<16xi32>,
            %get3A_158 = arith.constant 48 : index
            %get3A_159 = tpu.vector_load %arg8[%get3A_158] {strides = array<i32>} : memref<160xi32, #tpu.memory_space<vmem>>, vector<16xi32>,
            %add3A_160 = arith.constant 48 : i32
            %add3A_161 = vector.broadcast %add3A_160 : i32 to vector<16xi32>
            %add3A_162 = arith.addi %iota3A, %add3A_161 : vector<16xi32>
            %lt3A_163 = arith.cmpi slt, %add3A_162, %broadcast_in_dim3A_118 : vector<16xi32>
            %select_n3A_164 = arith.select %lt3A_163, %get3A_159, %broadcast_in_dim3A_21 : vector<16xi1>, vector<16xi32>
            %swap3A_165 = arith.constant 48 : index
            %swap3A_166 = tpu.vector_load %arg10[%swap3A_165] {strides = array<i32>} : memref<160xi32, #tpu.memory_space<vmem>>, vector<16xi32>,
            tpu.vector_store %arg10[%swap3A_165], %select_n3A_164 {strides = array<i32>} : memref<160xi32, #tpu.memory_space<vmem>>, vector<16xi32>,
            %get3A_167 = arith.constant 48 : index
            %get3A_168 = tpu.vector_load %arg7[%get3A_167] {strides = array<i32>} : memref<160xi32, #tpu.memory_space<vmem>>, vector<16xi32>,
            %swap3A_169 = arith.constant 48 : index
            %swap3A_170 = tpu.vector_load %arg9[%swap3A_169] {strides = array<i32>} : memref<160xi32, #tpu.memory_space<vmem>>, vector<16xi32>,
            tpu.vector_store %arg9[%swap3A_169], %get3A_168 {strides = array<i32>} : memref<160xi32, #tpu.memory_space<vmem>>, vector<16xi32>,
            %get3A_171 = arith.constant 64 : index
            %get3A_172 = tpu.vector_load %arg8[%get3A_171] {strides = array<i32>} : memref<160xi32, #tpu.memory_space<vmem>>, vector<16xi32>,
            %add3A_173 = arith.constant 64 : i32
            %add3A_174 = vector.broadcast %add3A_173 : i32 to vector<16xi32>
            %add3A_175 = arith.addi %iota3A, %add3A_174 : vector<16xi32>
            %lt3A_176 = arith.cmpi slt, %add3A_175, %broadcast_in_dim3A_118 : vector<16xi32>
            %select_n3A_177 = arith.select %lt3A_176, %get3A_172, %broadcast_in_dim3A_21 : vector<16xi1>, vector<16xi32>
            %swap3A_178 = arith.constant 64 : index
            %swap3A_179 = tpu.vector_load %arg10[%swap3A_178] {strides = array<i32>} : memref<160xi32, #tpu.memory_space<vmem>>, vector<16xi32>,
            tpu.vector_store %arg10[%swap3A_178], %select_n3A_177 {strides = array<i32>} : memref<160xi32, #tpu.memory_space<vmem>>, vector<16xi32>,
            %get3A_180 = arith.constant 64 : index
            %get3A_181 = tpu.vector_load %arg7[%get3A_180] {strides = array<i32>} : memref<160xi32, #tpu.memory_space<vmem>>, vector<16xi32>,
            %swap3A_182 = arith.constant 64 : index
            %swap3A_183 = tpu.vector_load %arg9[%swap3A_182] {strides = array<i32>} : memref<160xi32, #tpu.memory_space<vmem>>, vector<16xi32>,
            tpu.vector_store %arg9[%swap3A_182], %get3A_181 {strides = array<i32>} : memref<160xi32, #tpu.memory_space<vmem>>, vector<16xi32>,
            %get3A_184 = arith.constant 80 : index
            %get3A_185 = tpu.vector_load %arg8[%get3A_184] {strides = array<i32>} : memref<160xi32, #tpu.memory_space<vmem>>, vector<16xi32>,
            %add3A_186 = arith.constant 80 : i32
            %add3A_187 = vector.broadcast %add3A_186 : i32 to vector<16xi32>
            %add3A_188 = arith.addi %iota3A, %add3A_187 : vector<16xi32>
            %lt3A_189 = arith.cmpi slt, %add3A_188, %broadcast_in_dim3A_118 : vector<16xi32>
            %select_n3A_190 = arith.select %lt3A_189, %get3A_185, %broadcast_in_dim3A_21 : vector<16xi1>, vector<16xi32>
            %swap3A_191 = arith.constant 80 : index
            %swap3A_192 = tpu.vector_load %arg10[%swap3A_191] {strides = array<i32>} : memref<160xi32, #tpu.memory_space<vmem>>, vector<16xi32>,
            tpu.vector_store %arg10[%swap3A_191], %select_n3A_190 {strides = array<i32>} : memref<160xi32, #tpu.memory_space<vmem>>, vector<16xi32>,
            %get3A_193 = arith.constant 80 : index
            %get3A_194 = tpu.vector_load %arg7[%get3A_193] {strides = array<i32>} : memref<160xi32, #tpu.memory_space<vmem>>, vector<16xi32>,
            %swap3A_195 = arith.constant 80 : index
            %swap3A_196 = tpu.vector_load %arg9[%swap3A_195] {strides = array<i32>} : memref<160xi32, #tpu.memory_space<vmem>>, vector<16xi32>,
            tpu.vector_store %arg9[%swap3A_195], %get3A_194 {strides = array<i32>} : memref<160xi32, #tpu.memory_space<vmem>>, vector<16xi32>,
            %get3A_197 = arith.constant 96 : index
            %get3A_198 = tpu.vector_load %arg8[%get3A_197] {strides = array<i32>} : memref<160xi32, #tpu.memory_space<vmem>>, vector<16xi32>,
            %add3A_199 = arith.constant 96 : i32
            %add3A_200 = vector.broadcast %add3A_199 : i32 to vector<16xi32>
            %add3A_201 = arith.addi %iota3A, %add3A_200 : vector<16xi32>
            %lt3A_202 = arith.cmpi slt, %add3A_201, %broadcast_in_dim3A_118 : vector<16xi32>
            %select_n3A_203 = arith.select %lt3A_202, %get3A_198, %broadcast_in_dim3A_21 : vector<16xi1>, vector<16xi32>
            %swap3A_204 = arith.constant 96 : index
            %swap3A_205 = tpu.vector_load %arg10[%swap3A_204] {strides = array<i32>} : memref<160xi32, #tpu.memory_space<vmem>>, vector<16xi32>,
            tpu.vector_store %arg10[%swap3A_204], %select_n3A_203 {strides = array<i32>} : memref<160xi32, #tpu.memory_space<vmem>>, vector<16xi32>,
            %get3A_206 = arith.constant 96 : index
            %get3A_207 = tpu.vector_load %arg7[%get3A_206] {strides = array<i32>} : memref<160xi32, #tpu.memory_space<vmem>>, vector<16xi32>,
            %swap3A_208 = arith.constant 96 : index
            %swap3A_209 = tpu.vector_load %arg9[%swap3A_208] {strides = array<i32>} : memref<160xi32, #tpu.memory_space<vmem>>, vector<16xi32>,
            tpu.vector_store %arg9[%swap3A_208], %get3A_207 {strides = array<i32>} : memref<160xi32, #tpu.memory_space<vmem>>, vector<16xi32>,
            %get3A_210 = arith.constant 112 : index
            %get3A_211 = tpu.vector_load %arg8[%get3A_210] {strides = array<i32>} : memref<160xi32, #tpu.memory_space<vmem>>, vector<16xi32>,
            %add3A_212 = arith.constant 112 : i32
            %add3A_213 = vector.broadcast %add3A_212 : i32 to vector<16xi32>
            %add3A_214 = arith.addi %iota3A, %add3A_213 : vector<16xi32>
            %lt3A_215 = arith.cmpi slt, %add3A_214, %broadcast_in_dim3A_118 : vector<16xi32>
            %select_n3A_216 = arith.select %lt3A_215, %get3A_211, %broadcast_in_dim3A_21 : vector<16xi1>, vector<16xi32>
            %swap3A_217 = arith.constant 112 : index
            %swap3A_218 = tpu.vector_load %arg10[%swap3A_217] {strides = array<i32>} : memref<160xi32, #tpu.memory_space<vmem>>, vector<16xi32>,
            tpu.vector_store %arg10[%swap3A_217], %select_n3A_216 {strides = array<i32>} : memref<160xi32, #tpu.memory_space<vmem>>, vector<16xi32>,
            %get3A_219 = arith.constant 112 : index
            %get3A_220 = tpu.vector_load %arg7[%get3A_219] {strides = array<i32>} : memref<160xi32, #tpu.memory_space<vmem>>, vector<16xi32>,
            %swap3A_221 = arith.constant 112 : index
            %swap3A_222 = tpu.vector_load %arg9[%swap3A_221] {strides = array<i32>} : memref<160xi32, #tpu.memory_space<vmem>>, vector<16xi32>,
            tpu.vector_store %arg9[%swap3A_221], %get3A_220 {strides = array<i32>} : memref<160xi32, #tpu.memory_space<vmem>>, vector<16xi32>,
            %get3A_223 = arith.constant 128 : index
            %get3A_224 = tpu.vector_load %arg8[%get3A_223] {strides = array<i32>} : memref<160xi32, #tpu.memory_space<vmem>>, vector<16xi32>,
            %add3A_225 = arith.constant 128 : i32
            %add3A_226 = vector.broadcast %add3A_225 : i32 to vector<16xi32>
            %add3A_227 = arith.addi %iota3A, %add3A_226 : vector<16xi32>
            %lt3A_228 = arith.cmpi slt, %add3A_227, %broadcast_in_dim3A_118 : vector<16xi32>
            %select_n3A_229 = arith.select %lt3A_228, %get3A_224, %broadcast_in_dim3A_21 : vector<16xi1>, vector<16xi32>
            %swap3A_230 = arith.constant 128 : index
            %swap3A_231 = tpu.vector_load %arg10[%swap3A_230] {strides = array<i32>} : memref<160xi32, #tpu.memory_space<vmem>>, vector<16xi32>,
            tpu.vector_store %arg10[%swap3A_230], %select_n3A_229 {strides = array<i32>} : memref<160xi32, #tpu.memory_space<vmem>>, vector<16xi32>,
            %get3A_232 = arith.constant 128 : index
            %get3A_233 = tpu.vector_load %arg7[%get3A_232] {strides = array<i32>} : memref<160xi32, #tpu.memory_space<vmem>>, vector<16xi32>,
            %swap3A_234 = arith.constant 128 : index
            %swap3A_235 = tpu.vector_load %arg9[%swap3A_234] {strides = array<i32>} : memref<160xi32, #tpu.memory_space<vmem>>, vector<16xi32>,
            tpu.vector_store %arg9[%swap3A_234], %get3A_233 {strides = array<i32>} : memref<160xi32, #tpu.memory_space<vmem>>, vector<16xi32>,
            %get3A_236 = arith.constant 144 : index
            %get3A_237 = tpu.vector_load %arg8[%get3A_236] {strides = array<i32>} : memref<160xi32, #tpu.memory_space<vmem>>, vector<16xi32>,
            %add3A_238 = arith.constant 144 : i32
            %add3A_239 = vector.broadcast %add3A_238 : i32 to vector<16xi32>
            %add3A_240 = arith.addi %iota3A, %add3A_239 : vector<16xi32>
            %lt3A_241 = arith.cmpi slt, %add3A_240, %broadcast_in_dim3A_118 : vector<16xi32>
            %select_n3A_242 = arith.select %lt3A_241, %get3A_237, %broadcast_in_dim3A_21 : vector<16xi1>, vector<16xi32>
            %swap3A_243 = arith.constant 144 : index
            %swap3A_244 = tpu.vector_load %arg10[%swap3A_243] {strides = array<i32>} : memref<160xi32, #tpu.memory_space<vmem>>, vector<16xi32>,
            tpu.vector_store %arg10[%swap3A_243], %select_n3A_242 {strides = array<i32>} : memref<160xi32, #tpu.memory_space<vmem>>, vector<16xi32>,
            %get3A_245 = arith.constant 144 : index
            %get3A_246 = tpu.vector_load %arg7[%get3A_245] {strides = array<i32>} : memref<160xi32, #tpu.memory_space<vmem>>, vector<16xi32>,
            %swap3A_247 = arith.constant 144 : index
            %swap3A_248 = tpu.vector_load %arg9[%swap3A_247] {strides = array<i32>} : memref<160xi32, #tpu.memory_space<vmem>>, vector<16xi32>,
            tpu.vector_store %arg9[%swap3A_247], %get3A_246 {strides = array<i32>} : memref<160xi32, #tpu.memory_space<vmem>>, vector<16xi32>,
            %dma_start3A = arith.constant 0 : i32
            %dma_start3A_249 = arith.constant 0 : i32
            %dma_start3A_250 = tpu.memref_slice %arg2[%dma_start3A, %dma_start3A_249] : memref<640000x128xf32, #tpu.memory_space<hbm>> -> memref<640000x128xf32, #tpu.memory_space<hbm>>
            tpu.enqueue_indirect_dma source(%dma_start3A_250 : memref<640000x128xf32, #tpu.memory_space<hbm>>) target(%arg11 : memref<160x128xf32, #tpu.memory_space<vmem>>) offsets(%arg9 : memref<160xi32, #tpu.memory_space<vmem>>) semaphore(%arg13 : memref<!tpu.dma_semaphore, #tpu.memory_space<semaphore_mem>>)
          } else {
          }
          %jit3A = arith.constant 0 : i32
          %select_n3A = arith.select %gt3A_107, %jit3A, %add3A_105 : i32
          %jit3A_111 = arith.constant 1 : i32
          %select_n3A_112 = arith.select %gt3A_107, %jit3A_111, %scan3A_76 : i32
          scf.yield %select_n3A, %select_n3A_112 : i32, i32
        }
        %scan3A_73 = arith.constant 100 : i32
        scf.yield %scan3A_72#0, %scan3A_72#1 : i32, i32
      }
      %scan3A_45 = arith.constant 25 : i32
      %gt3A = arith.constant 0 : i32
      %gt3A_46 = arith.cmpi sgt, %scan3A_44#0, %gt3A : i32
      %convert_element_type3A = arith.extui %gt3A_46 : i1 to i32
      %cond3A = arith.constant 0 : i32
      %cond3A_47 = arith.cmpi ne, %convert_element_type3A, %cond3A : i32
      scf.if %cond3A_47 {
        %eq3A_60 = arith.constant 1 : i32
        %eq3A_61 = arith.cmpi eq, %scan3A_44#1, %eq3A_60 : i32
        %convert_element_type3A_62 = arith.extui %eq3A_61 : i1 to i32
        %cond3A_63 = arith.constant 0 : i32
        %cond3A_64 = arith.cmpi ne, %convert_element_type3A_62, %cond3A_63 : i32
        scf.if %cond3A_64 {
          %dma_wait3A_197 = arith.constant 0 : i32
          %dma_wait3A_198 = arith.constant 0 : i32
          %dma_wait3A_199 = tpu.memref_slice %arg2[%dma_wait3A_197, %dma_wait3A_198] : memref<640000x128xf32, #tpu.memory_space<hbm>> -> memref<640000x128xf32, #tpu.memory_space<hbm>>
          tpu.wait_indirect_dma semaphore(%arg13 : memref<!tpu.dma_semaphore, #tpu.memory_space<semaphore_mem>>) src(%dma_wait3A_199 : memref<640000x128xf32, #tpu.memory_space<hbm>>) dst(%arg11 : memref<160x128xf32, #tpu.memory_space<vmem>>)
          "tpu.region"() ({
            %run_scoped3A = tpu.sem_alloc : memref<!tpu.dma_semaphore, #tpu.memory_space<semaphore_mem>>
            %dma_start3A_200 = arith.constant 0 : i32
            %dma_start3A_201 = arith.constant 0 : i32
            %dma_start3A_202 = tpu.memref_slice %arg12[%dma_start3A_200, %dma_start3A_201] : memref<13448x128xf32, #tpu.memory_space<vmem_shared>> -> memref<13448x128xf32, #tpu.memory_space<vmem_shared>>
            tpu.enqueue_indirect_dma source(%arg11 : memref<160x128xf32, #tpu.memory_space<vmem>>) target(%dma_start3A_202 : memref<13448x128xf32, #tpu.memory_space<vmem_shared>>) offsets(%arg10 : memref<160xi32, #tpu.memory_space<vmem>>) semaphore(%run_scoped3A : memref<!tpu.dma_semaphore, #tpu.memory_space<semaphore_mem>>) {add = true}
            %dma_wait3A_203 = arith.constant 0 : i32
            %dma_wait3A_204 = arith.constant 0 : i32
            %dma_wait3A_205 = tpu.memref_slice %arg12[%dma_wait3A_203, %dma_wait3A_204] : memref<13448x128xf32, #tpu.memory_space<vmem_shared>> -> memref<13448x128xf32, #tpu.memory_space<vmem_shared>>
            tpu.wait_indirect_dma semaphore(%run_scoped3A : memref<!tpu.dma_semaphore, #tpu.memory_space<semaphore_mem>>) src(%arg11 : memref<160x128xf32, #tpu.memory_space<vmem>>) dst(%dma_wait3A_205 : memref<13448x128xf32, #tpu.memory_space<vmem_shared>>)
            tpu.yield
          }) : () -> ()
        } else {
        }
        %broadcast_in_dim3A_65 = vector.broadcast %scan3A_44#0 : i32 to vector<16xi32>
        %get3A = arith.constant 0 : index
        %get3A_66 = tpu.vector_load %arg8[%get3A] {strides = array<i32>} : memref<160xi32, #tpu.memory_space<vmem>>, vector<16xi32>,
        %add3A_67 = arith.constant 0 : i32
        %add3A_68 = vector.broadcast %add3A_67 : i32 to vector<16xi32>
        %add3A_69 = arith.addi %iota3A, %add3A_68 : vector<16xi32>
        %lt3A = arith.cmpi slt, %add3A_69, %broadcast_in_dim3A_65 : vector<16xi32>
        %select_n3A = arith.select %lt3A, %get3A_66, %broadcast_in_dim3A_21 : vector<16xi1>, vector<16xi32>
        %swap3A_70 = arith.constant 0 : index
        %swap3A_71 = tpu.vector_load %arg10[%swap3A_70] {strides = array<i32>} : memref<160xi32, #tpu.memory_space<vmem>>, vector<16xi32>,
        tpu.vector_store %arg10[%swap3A_70], %select_n3A {strides = array<i32>} : memref<160xi32, #tpu.memory_space<vmem>>, vector<16xi32>,
        %get3A_72 = arith.constant 0 : index
        %get3A_73 = tpu.vector_load %arg7[%get3A_72] {strides = array<i32>} : memref<160xi32, #tpu.memory_space<vmem>>, vector<16xi32>,
        %swap3A_74 = arith.constant 0 : index
        %swap3A_75 = tpu.vector_load %arg9[%swap3A_74] {strides = array<i32>} : memref<160xi32, #tpu.memory_space<vmem>>, vector<16xi32>,
        tpu.vector_store %arg9[%swap3A_74], %get3A_73 {strides = array<i32>} : memref<160xi32, #tpu.memory_space<vmem>>, vector<16xi32>,
        %get3A_76 = arith.constant 16 : index
        %get3A_77 = tpu.vector_load %arg8[%get3A_76] {strides = array<i32>} : memref<160xi32, #tpu.memory_space<vmem>>, vector<16xi32>,
        %add3A_78 = arith.constant 16 : i32
        %add3A_79 = vector.broadcast %add3A_78 : i32 to vector<16xi32>
        %add3A_80 = arith.addi %iota3A, %add3A_79 : vector<16xi32>
        %lt3A_81 = arith.cmpi slt, %add3A_80, %broadcast_in_dim3A_65 : vector<16xi32>
        %select_n3A_82 = arith.select %lt3A_81, %get3A_77, %broadcast_in_dim3A_21 : vector<16xi1>, vector<16xi32>
        %swap3A_83 = arith.constant 16 : index
        %swap3A_84 = tpu.vector_load %arg10[%swap3A_83] {strides = array<i32>} : memref<160xi32, #tpu.memory_space<vmem>>, vector<16xi32>,
        tpu.vector_store %arg10[%swap3A_83], %select_n3A_82 {strides = array<i32>} : memref<160xi32, #tpu.memory_space<vmem>>, vector<16xi32>,
        %get3A_85 = arith.constant 16 : index
        %get3A_86 = tpu.vector_load %arg7[%get3A_85] {strides = array<i32>} : memref<160xi32, #tpu.memory_space<vmem>>, vector<16xi32>,
        %swap3A_87 = arith.constant 16 : index
        %swap3A_88 = tpu.vector_load %arg9[%swap3A_87] {strides = array<i32>} : memref<160xi32, #tpu.memory_space<vmem>>, vector<16xi32>,
        tpu.vector_store %arg9[%swap3A_87], %get3A_86 {strides = array<i32>} : memref<160xi32, #tpu.memory_space<vmem>>, vector<16xi32>,
        %get3A_89 = arith.constant 32 : index
        %get3A_90 = tpu.vector_load %arg8[%get3A_89] {strides = array<i32>} : memref<160xi32, #tpu.memory_space<vmem>>, vector<16xi32>,
        %add3A_91 = arith.constant 32 : i32
        %add3A_92 = vector.broadcast %add3A_91 : i32 to vector<16xi32>
        %add3A_93 = arith.addi %iota3A, %add3A_92 : vector<16xi32>
        %lt3A_94 = arith.cmpi slt, %add3A_93, %broadcast_in_dim3A_65 : vector<16xi32>
        %select_n3A_95 = arith.select %lt3A_94, %get3A_90, %broadcast_in_dim3A_21 : vector<16xi1>, vector<16xi32>
        %swap3A_96 = arith.constant 32 : index
        %swap3A_97 = tpu.vector_load %arg10[%swap3A_96] {strides = array<i32>} : memref<160xi32, #tpu.memory_space<vmem>>, vector<16xi32>,
        tpu.vector_store %arg10[%swap3A_96], %select_n3A_95 {strides = array<i32>} : memref<160xi32, #tpu.memory_space<vmem>>, vector<16xi32>,
        %get3A_98 = arith.constant 32 : index
        %get3A_99 = tpu.vector_load %arg7[%get3A_98] {strides = array<i32>} : memref<160xi32, #tpu.memory_space<vmem>>, vector<16xi32>,
        %swap3A_100 = arith.constant 32 : index
        %swap3A_101 = tpu.vector_load %arg9[%swap3A_100] {strides = array<i32>} : memref<160xi32, #tpu.memory_space<vmem>>, vector<16xi32>,
        tpu.vector_store %arg9[%swap3A_100], %get3A_99 {strides = array<i32>} : memref<160xi32, #tpu.memory_space<vmem>>, vector<16xi32>,
        %get3A_102 = arith.constant 48 : index
        %get3A_103 = tpu.vector_load %arg8[%get3A_102] {strides = array<i32>} : memref<160xi32, #tpu.memory_space<vmem>>, vector<16xi32>,
        %add3A_104 = arith.constant 48 : i32
        %add3A_105 = vector.broadcast %add3A_104 : i32 to vector<16xi32>
        %add3A_106 = arith.addi %iota3A, %add3A_105 : vector<16xi32>
        %lt3A_107 = arith.cmpi slt, %add3A_106, %broadcast_in_dim3A_65 : vector<16xi32>
        %select_n3A_108 = arith.select %lt3A_107, %get3A_103, %broadcast_in_dim3A_21 : vector<16xi1>, vector<16xi32>
        %swap3A_109 = arith.constant 48 : index
        %swap3A_110 = tpu.vector_load %arg10[%swap3A_109] {strides = array<i32>} : memref<160xi32, #tpu.memory_space<vmem>>, vector<16xi32>,
        tpu.vector_store %arg10[%swap3A_109], %select_n3A_108 {strides = array<i32>} : memref<160xi32, #tpu.memory_space<vmem>>, vector<16xi32>,
        %get3A_111 = arith.constant 48 : index
        %get3A_112 = tpu.vector_load %arg7[%get3A_111] {strides = array<i32>} : memref<160xi32, #tpu.memory_space<vmem>>, vector<16xi32>,
        %swap3A_113 = arith.constant 48 : index
        %swap3A_114 = tpu.vector_load %arg9[%swap3A_113] {strides = array<i32>} : memref<160xi32, #tpu.memory_space<vmem>>, vector<16xi32>,
        tpu.vector_store %arg9[%swap3A_113], %get3A_112 {strides = array<i32>} : memref<160xi32, #tpu.memory_space<vmem>>, vector<16xi32>,
        %get3A_115 = arith.constant 64 : index
        %get3A_116 = tpu.vector_load %arg8[%get3A_115] {strides = array<i32>} : memref<160xi32, #tpu.memory_space<vmem>>, vector<16xi32>,
        %add3A_117 = arith.constant 64 : i32
        %add3A_118 = vector.broadcast %add3A_117 : i32 to vector<16xi32>
        %add3A_119 = arith.addi %iota3A, %add3A_118 : vector<16xi32>
        %lt3A_120 = arith.cmpi slt, %add3A_119, %broadcast_in_dim3A_65 : vector<16xi32>
        %select_n3A_121 = arith.select %lt3A_120, %get3A_116, %broadcast_in_dim3A_21 : vector<16xi1>, vector<16xi32>
        %swap3A_122 = arith.constant 64 : index
        %swap3A_123 = tpu.vector_load %arg10[%swap3A_122] {strides = array<i32>} : memref<160xi32, #tpu.memory_space<vmem>>, vector<16xi32>,
        tpu.vector_store %arg10[%swap3A_122], %select_n3A_121 {strides = array<i32>} : memref<160xi32, #tpu.memory_space<vmem>>, vector<16xi32>,
        %get3A_124 = arith.constant 64 : index
        %get3A_125 = tpu.vector_load %arg7[%get3A_124] {strides = array<i32>} : memref<160xi32, #tpu.memory_space<vmem>>, vector<16xi32>,
        %swap3A_126 = arith.constant 64 : index
        %swap3A_127 = tpu.vector_load %arg9[%swap3A_126] {strides = array<i32>} : memref<160xi32, #tpu.memory_space<vmem>>, vector<16xi32>,
        tpu.vector_store %arg9[%swap3A_126], %get3A_125 {strides = array<i32>} : memref<160xi32, #tpu.memory_space<vmem>>, vector<16xi32>,
        %get3A_128 = arith.constant 80 : index
        %get3A_129 = tpu.vector_load %arg8[%get3A_128] {strides = array<i32>} : memref<160xi32, #tpu.memory_space<vmem>>, vector<16xi32>,
        %add3A_130 = arith.constant 80 : i32
        %add3A_131 = vector.broadcast %add3A_130 : i32 to vector<16xi32>
        %add3A_132 = arith.addi %iota3A, %add3A_131 : vector<16xi32>
        %lt3A_133 = arith.cmpi slt, %add3A_132, %broadcast_in_dim3A_65 : vector<16xi32>
        %select_n3A_134 = arith.select %lt3A_133, %get3A_129, %broadcast_in_dim3A_21 : vector<16xi1>, vector<16xi32>
        %swap3A_135 = arith.constant 80 : index
        %swap3A_136 = tpu.vector_load %arg10[%swap3A_135] {strides = array<i32>} : memref<160xi32, #tpu.memory_space<vmem>>, vector<16xi32>,
        tpu.vector_store %arg10[%swap3A_135], %select_n3A_134 {strides = array<i32>} : memref<160xi32, #tpu.memory_space<vmem>>, vector<16xi32>,
        %get3A_137 = arith.constant 80 : index
        %get3A_138 = tpu.vector_load %arg7[%get3A_137] {strides = array<i32>} : memref<160xi32, #tpu.memory_space<vmem>>, vector<16xi32>,
        %swap3A_139 = arith.constant 80 : index
        %swap3A_140 = tpu.vector_load %arg9[%swap3A_139] {strides = array<i32>} : memref<160xi32, #tpu.memory_space<vmem>>, vector<16xi32>,
        tpu.vector_store %arg9[%swap3A_139], %get3A_138 {strides = array<i32>} : memref<160xi32, #tpu.memory_space<vmem>>, vector<16xi32>,
        %get3A_141 = arith.constant 96 : index
        %get3A_142 = tpu.vector_load %arg8[%get3A_141] {strides = array<i32>} : memref<160xi32, #tpu.memory_space<vmem>>, vector<16xi32>,
        %add3A_143 = arith.constant 96 : i32
        %add3A_144 = vector.broadcast %add3A_143 : i32 to vector<16xi32>
        %add3A_145 = arith.addi %iota3A, %add3A_144 : vector<16xi32>
        %lt3A_146 = arith.cmpi slt, %add3A_145, %broadcast_in_dim3A_65 : vector<16xi32>
        %select_n3A_147 = arith.select %lt3A_146, %get3A_142, %broadcast_in_dim3A_21 : vector<16xi1>, vector<16xi32>
        %swap3A_148 = arith.constant 96 : index
        %swap3A_149 = tpu.vector_load %arg10[%swap3A_148] {strides = array<i32>} : memref<160xi32, #tpu.memory_space<vmem>>, vector<16xi32>,
        tpu.vector_store %arg10[%swap3A_148], %select_n3A_147 {strides = array<i32>} : memref<160xi32, #tpu.memory_space<vmem>>, vector<16xi32>,
        %get3A_150 = arith.constant 96 : index
        %get3A_151 = tpu.vector_load %arg7[%get3A_150] {strides = array<i32>} : memref<160xi32, #tpu.memory_space<vmem>>, vector<16xi32>,
        %swap3A_152 = arith.constant 96 : index
        %swap3A_153 = tpu.vector_load %arg9[%swap3A_152] {strides = array<i32>} : memref<160xi32, #tpu.memory_space<vmem>>, vector<16xi32>,
        tpu.vector_store %arg9[%swap3A_152], %get3A_151 {strides = array<i32>} : memref<160xi32, #tpu.memory_space<vmem>>, vector<16xi32>,
        %get3A_154 = arith.constant 112 : index
        %get3A_155 = tpu.vector_load %arg8[%get3A_154] {strides = array<i32>} : memref<160xi32, #tpu.memory_space<vmem>>, vector<16xi32>,
        %add3A_156 = arith.constant 112 : i32
        %add3A_157 = vector.broadcast %add3A_156 : i32 to vector<16xi32>
        %add3A_158 = arith.addi %iota3A, %add3A_157 : vector<16xi32>
        %lt3A_159 = arith.cmpi slt, %add3A_158, %broadcast_in_dim3A_65 : vector<16xi32>
        %select_n3A_160 = arith.select %lt3A_159, %get3A_155, %broadcast_in_dim3A_21 : vector<16xi1>, vector<16xi32>
        %swap3A_161 = arith.constant 112 : index
        %swap3A_162 = tpu.vector_load %arg10[%swap3A_161] {strides = array<i32>} : memref<160xi32, #tpu.memory_space<vmem>>, vector<16xi32>,
        tpu.vector_store %arg10[%swap3A_161], %select_n3A_160 {strides = array<i32>} : memref<160xi32, #tpu.memory_space<vmem>>, vector<16xi32>,
        %get3A_163 = arith.constant 112 : index
        %get3A_164 = tpu.vector_load %arg7[%get3A_163] {strides = array<i32>} : memref<160xi32, #tpu.memory_space<vmem>>, vector<16xi32>,
        %swap3A_165 = arith.constant 112 : index
        %swap3A_166 = tpu.vector_load %arg9[%swap3A_165] {strides = array<i32>} : memref<160xi32, #tpu.memory_space<vmem>>, vector<16xi32>,
        tpu.vector_store %arg9[%swap3A_165], %get3A_164 {strides = array<i32>} : memref<160xi32, #tpu.memory_space<vmem>>, vector<16xi32>,
        %get3A_167 = arith.constant 128 : index
        %get3A_168 = tpu.vector_load %arg8[%get3A_167] {strides = array<i32>} : memref<160xi32, #tpu.memory_space<vmem>>, vector<16xi32>,
        %add3A_169 = arith.constant 128 : i32
        %add3A_170 = vector.broadcast %add3A_169 : i32 to vector<16xi32>
        %add3A_171 = arith.addi %iota3A, %add3A_170 : vector<16xi32>
        %lt3A_172 = arith.cmpi slt, %add3A_171, %broadcast_in_dim3A_65 : vector<16xi32>
        %select_n3A_173 = arith.select %lt3A_172, %get3A_168, %broadcast_in_dim3A_21 : vector<16xi1>, vector<16xi32>
        %swap3A_174 = arith.constant 128 : index
        %swap3A_175 = tpu.vector_load %arg10[%swap3A_174] {strides = array<i32>} : memref<160xi32, #tpu.memory_space<vmem>>, vector<16xi32>,
        tpu.vector_store %arg10[%swap3A_174], %select_n3A_173 {strides = array<i32>} : memref<160xi32, #tpu.memory_space<vmem>>, vector<16xi32>,
        %get3A_176 = arith.constant 128 : index
        %get3A_177 = tpu.vector_load %arg7[%get3A_176] {strides = array<i32>} : memref<160xi32, #tpu.memory_space<vmem>>, vector<16xi32>,
        %swap3A_178 = arith.constant 128 : index
        %swap3A_179 = tpu.vector_load %arg9[%swap3A_178] {strides = array<i32>} : memref<160xi32, #tpu.memory_space<vmem>>, vector<16xi32>,
        tpu.vector_store %arg9[%swap3A_178], %get3A_177 {strides = array<i32>} : memref<160xi32, #tpu.memory_space<vmem>>, vector<16xi32>,
        %get3A_180 = arith.constant 144 : index
        %get3A_181 = tpu.vector_load %arg8[%get3A_180] {strides = array<i32>} : memref<160xi32, #tpu.memory_space<vmem>>, vector<16xi32>,
        %add3A_182 = arith.constant 144 : i32
        %add3A_183 = vector.broadcast %add3A_182 : i32 to vector<16xi32>
        %add3A_184 = arith.addi %iota3A, %add3A_183 : vector<16xi32>
        %lt3A_185 = arith.cmpi slt, %add3A_184, %broadcast_in_dim3A_65 : vector<16xi32>
        %select_n3A_186 = arith.select %lt3A_185, %get3A_181, %broadcast_in_dim3A_21 : vector<16xi1>, vector<16xi32>
        %swap3A_187 = arith.constant 144 : index
        %swap3A_188 = tpu.vector_load %arg10[%swap3A_187] {strides = array<i32>} : memref<160xi32, #tpu.memory_space<vmem>>, vector<16xi32>,
        tpu.vector_store %arg10[%swap3A_187], %select_n3A_186 {strides = array<i32>} : memref<160xi32, #tpu.memory_space<vmem>>, vector<16xi32>,
        %get3A_189 = arith.constant 144 : index
        %get3A_190 = tpu.vector_load %arg7[%get3A_189] {strides = array<i32>} : memref<160xi32, #tpu.memory_space<vmem>>, vector<16xi32>,
        %swap3A_191 = arith.constant 144 : index
        %swap3A_192 = tpu.vector_load %arg9[%swap3A_191] {strides = array<i32>} : memref<160xi32, #tpu.memory_space<vmem>>, vector<16xi32>,
        tpu.vector_store %arg9[%swap3A_191], %get3A_190 {strides = array<i32>} : memref<160xi32, #tpu.memory_space<vmem>>, vector<16xi32>,
        %dma_start3A = arith.constant 0 : i32
        %dma_start3A_193 = arith.constant 0 : i32
        %dma_start3A_194 = tpu.memref_slice %arg2[%dma_start3A, %dma_start3A_193] : memref<640000x128xf32, #tpu.memory_space<hbm>> -> memref<640000x128xf32, #tpu.memory_space<hbm>>
        tpu.enqueue_indirect_dma source(%dma_start3A_194 : memref<640000x128xf32, #tpu.memory_space<hbm>>) target(%arg11 : memref<160x128xf32, #tpu.memory_space<vmem>>) offsets(%arg9 : memref<160xi32, #tpu.memory_space<vmem>>) semaphore(%arg13 : memref<!tpu.dma_semaphore, #tpu.memory_space<semaphore_mem>>)
        %dma_wait3A = arith.constant 0 : i32
        %dma_wait3A_195 = arith.constant 0 : i32
        %dma_wait3A_196 = tpu.memref_slice %arg2[%dma_wait3A, %dma_wait3A_195] : memref<640000x128xf32, #tpu.memory_space<hbm>> -> memref<640000x128xf32, #tpu.memory_space<hbm>>
        tpu.wait_indirect_dma semaphore(%arg13 : memref<!tpu.dma_semaphore, #tpu.memory_space<semaphore_mem>>) src(%dma_wait3A_196 : memref<640000x128xf32, #tpu.memory_space<hbm>>) dst(%arg11 : memref<160x128xf32, #tpu.memory_space<vmem>>)
        "tpu.region"() ({
          %run_scoped3A = tpu.sem_alloc : memref<!tpu.dma_semaphore, #tpu.memory_space<semaphore_mem>>
          %dma_start3A_197 = arith.constant 0 : i32
          %dma_start3A_198 = arith.constant 0 : i32
          %dma_start3A_199 = tpu.memref_slice %arg12[%dma_start3A_197, %dma_start3A_198] : memref<13448x128xf32, #tpu.memory_space<vmem_shared>> -> memref<13448x128xf32, #tpu.memory_space<vmem_shared>>
          tpu.enqueue_indirect_dma source(%arg11 : memref<160x128xf32, #tpu.memory_space<vmem>>) target(%dma_start3A_199 : memref<13448x128xf32, #tpu.memory_space<vmem_shared>>) offsets(%arg10 : memref<160xi32, #tpu.memory_space<vmem>>) semaphore(%run_scoped3A : memref<!tpu.dma_semaphore, #tpu.memory_space<semaphore_mem>>) {add = true}
          %dma_wait3A_200 = arith.constant 0 : i32
          %dma_wait3A_201 = arith.constant 0 : i32
          %dma_wait3A_202 = tpu.memref_slice %arg12[%dma_wait3A_200, %dma_wait3A_201] : memref<13448x128xf32, #tpu.memory_space<vmem_shared>> -> memref<13448x128xf32, #tpu.memory_space<vmem_shared>>
          tpu.wait_indirect_dma semaphore(%run_scoped3A : memref<!tpu.dma_semaphore, #tpu.memory_space<semaphore_mem>>) src(%arg11 : memref<160x128xf32, #tpu.memory_space<vmem>>) dst(%dma_wait3A_202 : memref<13448x128xf32, #tpu.memory_space<vmem_shared>>)
          tpu.yield
        }) : () -> ()
      } else {
      }
      %eq3A = arith.constant 0 : i32
      %eq3A_48 = arith.cmpi eq, %scan3A_44#0, %eq3A : i32
      %eq3A_49 = arith.constant 1 : i32
      %eq3A_50 = arith.cmpi eq, %scan3A_44#1, %eq3A_49 : i32
      %and3A = arith.andi %eq3A_48, %eq3A_50 : i1
      %convert_element_type3A_51 = arith.extui %and3A : i1 to i32
      %cond3A_52 = arith.constant 0 : i32
      %cond3A_53 = arith.cmpi ne, %convert_element_type3A_51, %cond3A_52 : i32
      scf.if %cond3A_53 {
        %dma_wait3A = arith.constant 0 : i32
        %dma_wait3A_60 = arith.constant 0 : i32
        %dma_wait3A_61 = tpu.memref_slice %arg2[%dma_wait3A, %dma_wait3A_60] : memref<640000x128xf32, #tpu.memory_space<hbm>> -> memref<640000x128xf32, #tpu.memory_space<hbm>>
        tpu.wait_indirect_dma semaphore(%arg13 : memref<!tpu.dma_semaphore, #tpu.memory_space<semaphore_mem>>) src(%dma_wait3A_61 : memref<640000x128xf32, #tpu.memory_space<hbm>>) dst(%arg11 : memref<160x128xf32, #tpu.memory_space<vmem>>)
        "tpu.region"() ({
          %run_scoped3A = tpu.sem_alloc : memref<!tpu.dma_semaphore, #tpu.memory_space<semaphore_mem>>
          %dma_start3A = arith.constant 0 : i32
          %dma_start3A_62 = arith.constant 0 : i32
          %dma_start3A_63 = tpu.memref_slice %arg12[%dma_start3A, %dma_start3A_62] : memref<13448x128xf32, #tpu.memory_space<vmem_shared>> -> memref<13448x128xf32, #tpu.memory_space<vmem_shared>>
          tpu.enqueue_indirect_dma source(%arg11 : memref<160x128xf32, #tpu.memory_space<vmem>>) target(%dma_start3A_63 : memref<13448x128xf32, #tpu.memory_space<vmem_shared>>) offsets(%arg10 : memref<160xi32, #tpu.memory_space<vmem>>) semaphore(%run_scoped3A : memref<!tpu.dma_semaphore, #tpu.memory_space<semaphore_mem>>) {add = true}
          %dma_wait3A_64 = arith.constant 0 : i32
          %dma_wait3A_65 = arith.constant 0 : i32
          %dma_wait3A_66 = tpu.memref_slice %arg12[%dma_wait3A_64, %dma_wait3A_65] : memref<13448x128xf32, #tpu.memory_space<vmem_shared>> -> memref<13448x128xf32, #tpu.memory_space<vmem_shared>>
          tpu.wait_indirect_dma semaphore(%run_scoped3A : memref<!tpu.dma_semaphore, #tpu.memory_space<semaphore_mem>>) src(%arg11 : memref<160x128xf32, #tpu.memory_space<vmem>>) dst(%dma_wait3A_66 : memref<13448x128xf32, #tpu.memory_space<vmem_shared>>)
          tpu.yield
        }) : () -> ()
      } else {
      }
      %barrier3A_54 = arith.constant 0 : index
      tpu.barrier barrier_id(%barrier3A_54)
      %mul3A_55 = arith.constant 840 : i32
      %mul3A_56 = arith.muli %arg1, %mul3A_55 : i32
      %mul3A_57 = arith.constant 840 : i32
      %mul3A_58 = arith.muli %arg1, %mul3A_57 : i32
      %add3A_59 = arith.addi %min3A_31, %mul3A_58 : i32
      "tpu.region"() ({
        %run_scoped3A = tpu.sem_alloc : memref<!tpu.dma_semaphore, #tpu.memory_space<semaphore_mem>>
        %dma_start3A = arith.constant 0 : i32
        %dma_start3A_60 = tpu.memref_slice %arg5[%add3A_59, %dma_start3A] : memref<320000x128xf32, #tpu.memory_space<hbm>> -> memref<840x128xf32, #tpu.memory_space<hbm>>
        %dma_start3A_61 = arith.constant 0 : i32
        %dma_start3A_62 = tpu.memref_slice %arg12[%mul3A_56, %dma_start3A_61] : memref<13448x128xf32, #tpu.memory_space<vmem_shared>> -> memref<840x128xf32, #tpu.memory_space<vmem_shared>>
        tpu.enqueue_dma source(%dma_start3A_62 : memref<840x128xf32, #tpu.memory_space<vmem_shared>>) target(%dma_start3A_60 : memref<840x128xf32, #tpu.memory_space<hbm>>) target_semaphore(%run_scoped3A : memref<!tpu.dma_semaphore, #tpu.memory_space<semaphore_mem>>)
        %dma_wait3A = arith.constant 0 : i32
        %dma_wait3A_63 = tpu.memref_slice %arg5[%add3A_59, %dma_wait3A] : memref<320000x128xf32, #tpu.memory_space<hbm>> -> memref<840x128xf32, #tpu.memory_space<hbm>>
        %dma_wait3A_64 = arith.constant 0 : i32
        %dma_wait3A_65 = tpu.memref_slice %arg12[%mul3A_56, %dma_wait3A_64] : memref<13448x128xf32, #tpu.memory_space<vmem_shared>> -> memref<840x128xf32, #tpu.memory_space<vmem_shared>>
        tpu.wait_dma2 semaphore(%run_scoped3A : memref<!tpu.dma_semaphore, #tpu.memory_space<semaphore_mem>>) src(%dma_wait3A_65 : memref<840x128xf32, #tpu.memory_space<vmem_shared>>) dst(%dma_wait3A_63 : memref<840x128xf32, #tpu.memory_space<hbm>>)
        tpu.yield
      }) : () -> ()
    }
    %scan3A_26 = arith.constant 12 : i32
    return
  }
}

module attributes {stable_mosaic.version = 14 : i64} {
  func.func @_edge_body(%arg0: i32, %arg1: memref<4000x128xf32, #tpu.memory_space<vmem>>, %arg2: memref<4000x6xf32, #tpu.memory_space<vmem>>, %arg3: memref<128x128xbf16, #tpu.memory_space<vmem>>, %arg4: memref<1x128xf32, #tpu.memory_space<vmem>>, %arg5: memref<128x128xbf16, #tpu.memory_space<vmem>>, %arg6: memref<1x128xf32, #tpu.memory_space<vmem>>, %arg7: memref<6x128xf32, #tpu.memory_space<vmem>>, %arg8: memref<4000x128xf32, #tpu.memory_space<vmem>>, %arg9: memref<4000x128xf32, #tpu.memory_space<vmem>>) attributes {dimension_semantics = [#tpu.dimension_semantics<arbitrary>], iteration_bounds = array<i64: 80>, scalar_prefetch = 0 : i64, scratch_operands = 0 : i64, tpu.core_type = #tpu.core_type<tc>, window_params = [{transform_indices = @transform_0, window_bounds = array<i64: 4000, 128>}, {transform_indices = @transform_1, window_bounds = array<i64: 4000, 6>}, {pipeline_mode = #tpu.pipeline_mode<synchronous>, transform_indices = @transform_2, window_bounds = array<i64: 128, 128>}, {pipeline_mode = #tpu.pipeline_mode<synchronous>, transform_indices = @transform_3, window_bounds = array<i64: 1, 128>}, {pipeline_mode = #tpu.pipeline_mode<synchronous>, transform_indices = @transform_4, window_bounds = array<i64: 128, 128>}, {pipeline_mode = #tpu.pipeline_mode<synchronous>, transform_indices = @transform_5, window_bounds = array<i64: 1, 128>}, {pipeline_mode = #tpu.pipeline_mode<synchronous>, transform_indices = @transform_6, window_bounds = array<i64: 6, 128>}, {transform_indices = @transform_7, window_bounds = array<i64: 4000, 128>}, {transform_indices = @transform_8, window_bounds = array<i64: 4000, 128>}]} {
    %get3A = arith.constant 0 : index
    %get3A_0 = arith.constant 0 : index
    %get3A_1 = vector.load %arg1[%get3A, %get3A_0] : memref<4000x128xf32, #tpu.memory_space<vmem>>, vector<4000x128xf32>
    %convert_element_type3A = arith.truncf %get3A_1 : vector<4000x128xf32> to vector<4000x128xbf16>
    %get3A_2 = arith.constant 0 : index
    %get3A_3 = arith.constant 0 : index
    %get3A_4 = vector.load %arg2[%get3A_2, %get3A_3] : memref<4000x6xf32, #tpu.memory_space<vmem>>, vector<4000x6xf32>
    %get3A_5 = arith.constant 0 : index
    %get3A_6 = arith.constant 0 : index
    %get3A_7 = vector.load %arg7[%get3A_5, %get3A_6] : memref<6x128xf32, #tpu.memory_space<vmem>>, vector<6x128xf32>
    %dot_general3A = arith.constant dense<0.000000e+00> : vector<4000x128xf32>
    %dot_general3A_8 = tpu.matmul %get3A_4, %get3A_7, %dot_general3A {dimension_numbers = #tpu.dot_dimension_numbers<[1], [0], [0], [1], [0, 0, 1, 1], [], []>, transpose_lhs_hint = false} : vector<4000x6xf32>, vector<6x128xf32>, vector<4000x128xf32> -> vector<4000x128xf32>
    %get3A_9 = arith.constant 0 : index
    %get3A_10 = arith.constant 0 : index
    %get3A_11 = vector.load %arg3[%get3A_9, %get3A_10] : memref<128x128xbf16, #tpu.memory_space<vmem>>, vector<128x128xbf16>
    %dot_general3A_12 = arith.constant dense<0.000000e+00> : vector<4000x128xf32>
    %dot_general3A_13 = tpu.matmul %convert_element_type3A, %get3A_11, %dot_general3A_12 {dimension_numbers = #tpu.dot_dimension_numbers<[1], [0], [0], [1], [0, 0, 1, 1], [], []>, transpose_lhs_hint = false} : vector<4000x128xbf16>, vector<128x128xbf16>, vector<4000x128xf32> -> vector<4000x128xf32>
    %get3A_14 = arith.constant 0 : index
    %get3A_15 = arith.constant 0 : index
    %get3A_16 = vector.load %arg4[%get3A_14, %get3A_15] : memref<1x128xf32, #tpu.memory_space<vmem>>, vector<1x128xf32>
    %add3A = vector.broadcast %get3A_16 : vector<1x128xf32> to vector<4000x128xf32>
    %add3A_17 = arith.addf %dot_general3A_13, %add3A : vector<4000x128xf32>
    %logistic3A = arith.negf %add3A_17 : vector<4000x128xf32>
    %logistic3A_18 = math.exp %logistic3A : vector<4000x128xf32>
    %logistic3A_19 = arith.constant 1.000000e+00 : f32
    %logistic3A_20 = vector.broadcast %logistic3A_19 : f32 to vector<4000x128xf32>
    %logistic3A_21 = arith.addf %logistic3A_20, %logistic3A_18 : vector<4000x128xf32>
    %logistic3A_22 = arith.divf %logistic3A_20, %logistic3A_21 : vector<4000x128xf32>
    %mul3A = arith.mulf %add3A_17, %logistic3A_22 : vector<4000x128xf32>
    %swap3A = arith.constant 0 : index
    %swap3A_23 = arith.constant 0 : index
    %swap3A_24 = vector.load %arg8[%swap3A, %swap3A_23] : memref<4000x128xf32, #tpu.memory_space<vmem>>, vector<4000x128xf32>
    tpu.vector_store %arg8[%swap3A, %swap3A_23], %mul3A {strides = array<i32>} : memref<4000x128xf32, #tpu.memory_space<vmem>>, vector<4000x128xf32>,
    %get3A_25 = arith.constant 0 : index
    %get3A_26 = arith.constant 0 : index
    %get3A_27 = vector.load %arg5[%get3A_25, %get3A_26] : memref<128x128xbf16, #tpu.memory_space<vmem>>, vector<128x128xbf16>
    %dot_general3A_28 = arith.constant dense<0.000000e+00> : vector<4000x128xf32>
    %dot_general3A_29 = tpu.matmul %convert_element_type3A, %get3A_27, %dot_general3A_28 {dimension_numbers = #tpu.dot_dimension_numbers<[1], [0], [0], [1], [0, 0, 1, 1], [], []>, transpose_lhs_hint = false} : vector<4000x128xbf16>, vector<128x128xbf16>, vector<4000x128xf32> -> vector<4000x128xf32>
    %get3A_30 = arith.constant 0 : index
    %get3A_31 = arith.constant 0 : index
    %get3A_32 = vector.load %arg6[%get3A_30, %get3A_31] : memref<1x128xf32, #tpu.memory_space<vmem>>, vector<1x128xf32>
    %add3A_33 = vector.broadcast %get3A_32 : vector<1x128xf32> to vector<4000x128xf32>
    %add3A_34 = arith.addf %dot_general3A_29, %add3A_33 : vector<4000x128xf32>
    %logistic3A_35 = arith.negf %add3A_34 : vector<4000x128xf32>
    %logistic3A_36 = math.exp %logistic3A_35 : vector<4000x128xf32>
    %logistic3A_37 = arith.constant 1.000000e+00 : f32
    %logistic3A_38 = vector.broadcast %logistic3A_37 : f32 to vector<4000x128xf32>
    %logistic3A_39 = arith.addf %logistic3A_38, %logistic3A_36 : vector<4000x128xf32>
    %logistic3A_40 = arith.divf %logistic3A_38, %logistic3A_39 : vector<4000x128xf32>
    %mul3A_41 = arith.mulf %add3A_34, %logistic3A_40 : vector<4000x128xf32>
    %mul3A_42 = arith.mulf %mul3A_41, %dot_general3A_8 : vector<4000x128xf32>
    %swap3A_43 = arith.constant 0 : index
    %swap3A_44 = arith.constant 0 : index
    %swap3A_45 = vector.load %arg9[%swap3A_43, %swap3A_44] : memref<4000x128xf32, #tpu.memory_space<vmem>>, vector<4000x128xf32>
    tpu.vector_store %arg9[%swap3A_43, %swap3A_44], %mul3A_42 {strides = array<i32>} : memref<4000x128xf32, #tpu.memory_space<vmem>>, vector<4000x128xf32>,
    return
  }
  func.func @transform_0(%arg0: i32) -> (i32, i32) {
    %c0_i32 = arith.constant 0 : i32
    %c0_i32_0 = arith.constant 0 : i32
    return %arg0, %c0_i32 : i32, i32
  }
  func.func @transform_1(%arg0: i32) -> (i32, i32) {
    %c0_i32 = arith.constant 0 : i32
    %c0_i32_0 = arith.constant 0 : i32
    return %arg0, %c0_i32 : i32, i32
  }
  func.func @transform_2(%arg0: i32) -> (i32, i32) {
    %c0_i32 = arith.constant 0 : i32
    %c0_i32_0 = arith.constant 0 : i32
    %c0_i32_1 = arith.constant 0 : i32
    return %c0_i32, %c0_i32_0 : i32, i32
  }
  func.func @transform_3(%arg0: i32) -> (i32, i32) {
    %c0_i32 = arith.constant 0 : i32
    %c0_i32_0 = arith.constant 0 : i32
    %c0_i32_1 = arith.constant 0 : i32
    return %c0_i32, %c0_i32_0 : i32, i32
  }
  func.func @transform_4(%arg0: i32) -> (i32, i32) {
    %c0_i32 = arith.constant 0 : i32
    %c0_i32_0 = arith.constant 0 : i32
    %c0_i32_1 = arith.constant 0 : i32
    return %c0_i32, %c0_i32_0 : i32, i32
  }
  func.func @transform_5(%arg0: i32) -> (i32, i32) {
    %c0_i32 = arith.constant 0 : i32
    %c0_i32_0 = arith.constant 0 : i32
    %c0_i32_1 = arith.constant 0 : i32
    return %c0_i32, %c0_i32_0 : i32, i32
  }
  func.func @transform_6(%arg0: i32) -> (i32, i32) {
    %c0_i32 = arith.constant 0 : i32
    %c0_i32_0 = arith.constant 0 : i32
    %c0_i32_1 = arith.constant 0 : i32
    return %c0_i32, %c0_i32_0 : i32, i32
  }
  func.func @transform_7(%arg0: i32) -> (i32, i32) {
    %c0_i32 = arith.constant 0 : i32
    %c0_i32_0 = arith.constant 0 : i32
    return %arg0, %c0_i32 : i32, i32
  }
  func.func @transform_8(%arg0: i32) -> (i32, i32) {
    %c0_i32 = arith.constant 0 : i32
    %c0_i32_0 = arith.constant 0 : i32
    return %arg0, %c0_i32 : i32, i32
  }
}

module attributes {stable_mosaic.version = 14 : i64} {
  func.func @_tri_body(%arg0: i32, %arg1: memref<4000x42xf32, #tpu.memory_space<vmem>>, %arg2: memref<4000x128xf32, #tpu.memory_space<vmem>>, %arg3: memref<42x8xf32, #tpu.memory_space<vmem>>, %arg4: memref<8x128x128xbf16, #tpu.memory_space<vmem>>, %arg5: memref<4000x128xf32, #tpu.memory_space<vmem>>) attributes {dimension_semantics = [#tpu.dimension_semantics<arbitrary>], iteration_bounds = array<i64: 160>, scalar_prefetch = 0 : i64, scratch_operands = 0 : i64, tpu.core_type = #tpu.core_type<tc>, window_params = [{transform_indices = @transform_0, window_bounds = array<i64: 4000, 42>}, {transform_indices = @transform_1, window_bounds = array<i64: 4000, 128>}, {pipeline_mode = #tpu.pipeline_mode<synchronous>, transform_indices = @transform_2, window_bounds = array<i64: 42, 8>}, {pipeline_mode = #tpu.pipeline_mode<synchronous>, transform_indices = @transform_3, window_bounds = array<i64: 8, 128, 128>}, {transform_indices = @transform_4, window_bounds = array<i64: 4000, 128>}]} {
    %get3A = arith.constant 0 : index
    %get3A_0 = arith.constant 0 : index
    %get3A_1 = vector.load %arg1[%get3A, %get3A_0] : memref<4000x42xf32, #tpu.memory_space<vmem>>, vector<4000x42xf32>
    %get3A_2 = arith.constant 0 : index
    %get3A_3 = arith.constant 0 : index
    %get3A_4 = vector.load %arg3[%get3A_2, %get3A_3] : memref<42x8xf32, #tpu.memory_space<vmem>>, vector<42x8xf32>
    %dot_general3A = arith.constant dense<0.000000e+00> : vector<4000x8xf32>
    %dot_general3A_5 = tpu.matmul %get3A_1, %get3A_4, %dot_general3A {dimension_numbers = #tpu.dot_dimension_numbers<[1], [0], [0], [1], [0, 0, 1, 1], [], []>, transpose_lhs_hint = false} : vector<4000x42xf32>, vector<42x8xf32>, vector<4000x8xf32> -> vector<4000x8xf32>
    %get3A_6 = arith.constant 0 : index
    %get3A_7 = arith.constant 0 : index
    %get3A_8 = vector.load %arg2[%get3A_6, %get3A_7] : memref<4000x128xf32, #tpu.memory_space<vmem>>, vector<4000x128xf32>
    %convert_element_type3A = arith.truncf %get3A_8 : vector<4000x128xf32> to vector<4000x128xbf16>
    %get3A_9 = arith.constant 0 : index
    %get3A_10 = arith.constant 0 : index
    %get3A_11 = arith.constant 0 : index
    %get3A_12 = vector.load %arg4[%get3A_9, %get3A_10, %get3A_11] : memref<8x128x128xbf16, #tpu.memory_space<vmem>>, vector<8x128x128xbf16>
    %slice3A = vector.extract_strided_slice %dot_general3A_5 {offsets = [0, 0], sizes = [4000, 1], strides = [1, 1]} : vector<4000x8xf32> to vector<4000x1xf32>
    %slice3A_13 = vector.extract_strided_slice %get3A_12 {offsets = [0, 0, 0], sizes = [1, 128, 128], strides = [1, 1, 1]} : vector<8x128x128xbf16> to vector<1x128x128xbf16>
    %squeeze3A = vector.shape_cast %slice3A_13 : vector<1x128x128xbf16> to vector<128x128xbf16>
    %dot_general3A_14 = arith.constant dense<0.000000e+00> : vector<4000x128xf32>
    %dot_general3A_15 = tpu.matmul %convert_element_type3A, %squeeze3A, %dot_general3A_14 {dimension_numbers = #tpu.dot_dimension_numbers<[1], [0], [0], [1], [0, 0, 1, 1], [], []>, transpose_lhs_hint = false} : vector<4000x128xbf16>, vector<128x128xbf16>, vector<4000x128xf32> -> vector<4000x128xf32>
    %mul3A = vector.broadcast %slice3A : vector<4000x1xf32> to vector<4000x128xf32>
    %mul3A_16 = arith.mulf %mul3A, %dot_general3A_15 : vector<4000x128xf32>
    %slice3A_17 = vector.extract_strided_slice %dot_general3A_5 {offsets = [0, 1], sizes = [4000, 1], strides = [1, 1]} : vector<4000x8xf32> to vector<4000x1xf32>
    %slice3A_18 = vector.extract_strided_slice %get3A_12 {offsets = [1, 0, 0], sizes = [1, 128, 128], strides = [1, 1, 1]} : vector<8x128x128xbf16> to vector<1x128x128xbf16>
    %squeeze3A_19 = vector.shape_cast %slice3A_18 : vector<1x128x128xbf16> to vector<128x128xbf16>
    %dot_general3A_20 = arith.constant dense<0.000000e+00> : vector<4000x128xf32>
    %dot_general3A_21 = tpu.matmul %convert_element_type3A, %squeeze3A_19, %dot_general3A_20 {dimension_numbers = #tpu.dot_dimension_numbers<[1], [0], [0], [1], [0, 0, 1, 1], [], []>, transpose_lhs_hint = false} : vector<4000x128xbf16>, vector<128x128xbf16>, vector<4000x128xf32> -> vector<4000x128xf32>
    %mul3A_22 = vector.broadcast %slice3A_17 : vector<4000x1xf32> to vector<4000x128xf32>
    %mul3A_23 = arith.mulf %mul3A_22, %dot_general3A_21 : vector<4000x128xf32>
    %add3A = arith.addf %mul3A_16, %mul3A_23 : vector<4000x128xf32>
    %slice3A_24 = vector.extract_strided_slice %dot_general3A_5 {offsets = [0, 2], sizes = [4000, 1], strides = [1, 1]} : vector<4000x8xf32> to vector<4000x1xf32>
    %slice3A_25 = vector.extract_strided_slice %get3A_12 {offsets = [2, 0, 0], sizes = [1, 128, 128], strides = [1, 1, 1]} : vector<8x128x128xbf16> to vector<1x128x128xbf16>
    %squeeze3A_26 = vector.shape_cast %slice3A_25 : vector<1x128x128xbf16> to vector<128x128xbf16>
    %dot_general3A_27 = arith.constant dense<0.000000e+00> : vector<4000x128xf32>
    %dot_general3A_28 = tpu.matmul %convert_element_type3A, %squeeze3A_26, %dot_general3A_27 {dimension_numbers = #tpu.dot_dimension_numbers<[1], [0], [0], [1], [0, 0, 1, 1], [], []>, transpose_lhs_hint = false} : vector<4000x128xbf16>, vector<128x128xbf16>, vector<4000x128xf32> -> vector<4000x128xf32>
    %mul3A_29 = vector.broadcast %slice3A_24 : vector<4000x1xf32> to vector<4000x128xf32>
    %mul3A_30 = arith.mulf %mul3A_29, %dot_general3A_28 : vector<4000x128xf32>
    %add3A_31 = arith.addf %add3A, %mul3A_30 : vector<4000x128xf32>
    %slice3A_32 = vector.extract_strided_slice %dot_general3A_5 {offsets = [0, 3], sizes = [4000, 1], strides = [1, 1]} : vector<4000x8xf32> to vector<4000x1xf32>
    %slice3A_33 = vector.extract_strided_slice %get3A_12 {offsets = [3, 0, 0], sizes = [1, 128, 128], strides = [1, 1, 1]} : vector<8x128x128xbf16> to vector<1x128x128xbf16>
    %squeeze3A_34 = vector.shape_cast %slice3A_33 : vector<1x128x128xbf16> to vector<128x128xbf16>
    %dot_general3A_35 = arith.constant dense<0.000000e+00> : vector<4000x128xf32>
    %dot_general3A_36 = tpu.matmul %convert_element_type3A, %squeeze3A_34, %dot_general3A_35 {dimension_numbers = #tpu.dot_dimension_numbers<[1], [0], [0], [1], [0, 0, 1, 1], [], []>, transpose_lhs_hint = false} : vector<4000x128xbf16>, vector<128x128xbf16>, vector<4000x128xf32> -> vector<4000x128xf32>
    %mul3A_37 = vector.broadcast %slice3A_32 : vector<4000x1xf32> to vector<4000x128xf32>
    %mul3A_38 = arith.mulf %mul3A_37, %dot_general3A_36 : vector<4000x128xf32>
    %add3A_39 = arith.addf %add3A_31, %mul3A_38 : vector<4000x128xf32>
    %slice3A_40 = vector.extract_strided_slice %dot_general3A_5 {offsets = [0, 4], sizes = [4000, 1], strides = [1, 1]} : vector<4000x8xf32> to vector<4000x1xf32>
    %slice3A_41 = vector.extract_strided_slice %get3A_12 {offsets = [4, 0, 0], sizes = [1, 128, 128], strides = [1, 1, 1]} : vector<8x128x128xbf16> to vector<1x128x128xbf16>
    %squeeze3A_42 = vector.shape_cast %slice3A_41 : vector<1x128x128xbf16> to vector<128x128xbf16>
    %dot_general3A_43 = arith.constant dense<0.000000e+00> : vector<4000x128xf32>
    %dot_general3A_44 = tpu.matmul %convert_element_type3A, %squeeze3A_42, %dot_general3A_43 {dimension_numbers = #tpu.dot_dimension_numbers<[1], [0], [0], [1], [0, 0, 1, 1], [], []>, transpose_lhs_hint = false} : vector<4000x128xbf16>, vector<128x128xbf16>, vector<4000x128xf32> -> vector<4000x128xf32>
    %mul3A_45 = vector.broadcast %slice3A_40 : vector<4000x1xf32> to vector<4000x128xf32>
    %mul3A_46 = arith.mulf %mul3A_45, %dot_general3A_44 : vector<4000x128xf32>
    %add3A_47 = arith.addf %add3A_39, %mul3A_46 : vector<4000x128xf32>
    %slice3A_48 = vector.extract_strided_slice %dot_general3A_5 {offsets = [0, 5], sizes = [4000, 1], strides = [1, 1]} : vector<4000x8xf32> to vector<4000x1xf32>
    %slice3A_49 = vector.extract_strided_slice %get3A_12 {offsets = [5, 0, 0], sizes = [1, 128, 128], strides = [1, 1, 1]} : vector<8x128x128xbf16> to vector<1x128x128xbf16>
    %squeeze3A_50 = vector.shape_cast %slice3A_49 : vector<1x128x128xbf16> to vector<128x128xbf16>
    %dot_general3A_51 = arith.constant dense<0.000000e+00> : vector<4000x128xf32>
    %dot_general3A_52 = tpu.matmul %convert_element_type3A, %squeeze3A_50, %dot_general3A_51 {dimension_numbers = #tpu.dot_dimension_numbers<[1], [0], [0], [1], [0, 0, 1, 1], [], []>, transpose_lhs_hint = false} : vector<4000x128xbf16>, vector<128x128xbf16>, vector<4000x128xf32> -> vector<4000x128xf32>
    %mul3A_53 = vector.broadcast %slice3A_48 : vector<4000x1xf32> to vector<4000x128xf32>
    %mul3A_54 = arith.mulf %mul3A_53, %dot_general3A_52 : vector<4000x128xf32>
    %add3A_55 = arith.addf %add3A_47, %mul3A_54 : vector<4000x128xf32>
    %slice3A_56 = vector.extract_strided_slice %dot_general3A_5 {offsets = [0, 6], sizes = [4000, 1], strides = [1, 1]} : vector<4000x8xf32> to vector<4000x1xf32>
    %slice3A_57 = vector.extract_strided_slice %get3A_12 {offsets = [6, 0, 0], sizes = [1, 128, 128], strides = [1, 1, 1]} : vector<8x128x128xbf16> to vector<1x128x128xbf16>
    %squeeze3A_58 = vector.shape_cast %slice3A_57 : vector<1x128x128xbf16> to vector<128x128xbf16>
    %dot_general3A_59 = arith.constant dense<0.000000e+00> : vector<4000x128xf32>
    %dot_general3A_60 = tpu.matmul %convert_element_type3A, %squeeze3A_58, %dot_general3A_59 {dimension_numbers = #tpu.dot_dimension_numbers<[1], [0], [0], [1], [0, 0, 1, 1], [], []>, transpose_lhs_hint = false} : vector<4000x128xbf16>, vector<128x128xbf16>, vector<4000x128xf32> -> vector<4000x128xf32>
    %mul3A_61 = vector.broadcast %slice3A_56 : vector<4000x1xf32> to vector<4000x128xf32>
    %mul3A_62 = arith.mulf %mul3A_61, %dot_general3A_60 : vector<4000x128xf32>
    %add3A_63 = arith.addf %add3A_55, %mul3A_62 : vector<4000x128xf32>
    %slice3A_64 = vector.extract_strided_slice %dot_general3A_5 {offsets = [0, 7], sizes = [4000, 1], strides = [1, 1]} : vector<4000x8xf32> to vector<4000x1xf32>
    %slice3A_65 = vector.extract_strided_slice %get3A_12 {offsets = [7, 0, 0], sizes = [1, 128, 128], strides = [1, 1, 1]} : vector<8x128x128xbf16> to vector<1x128x128xbf16>
    %squeeze3A_66 = vector.shape_cast %slice3A_65 : vector<1x128x128xbf16> to vector<128x128xbf16>
    %dot_general3A_67 = arith.constant dense<0.000000e+00> : vector<4000x128xf32>
    %dot_general3A_68 = tpu.matmul %convert_element_type3A, %squeeze3A_66, %dot_general3A_67 {dimension_numbers = #tpu.dot_dimension_numbers<[1], [0], [0], [1], [0, 0, 1, 1], [], []>, transpose_lhs_hint = false} : vector<4000x128xbf16>, vector<128x128xbf16>, vector<4000x128xf32> -> vector<4000x128xf32>
    %mul3A_69 = vector.broadcast %slice3A_64 : vector<4000x1xf32> to vector<4000x128xf32>
    %mul3A_70 = arith.mulf %mul3A_69, %dot_general3A_68 : vector<4000x128xf32>
    %add3A_71 = arith.addf %add3A_63, %mul3A_70 : vector<4000x128xf32>
    %swap3A = arith.constant 0 : index
    %swap3A_72 = arith.constant 0 : index
    %swap3A_73 = vector.load %arg5[%swap3A, %swap3A_72] : memref<4000x128xf32, #tpu.memory_space<vmem>>, vector<4000x128xf32>
    tpu.vector_store %arg5[%swap3A, %swap3A_72], %add3A_71 {strides = array<i32>} : memref<4000x128xf32, #tpu.memory_space<vmem>>, vector<4000x128xf32>,
    return
  }
  func.func @transform_0(%arg0: i32) -> (i32, i32) {
    %c0_i32 = arith.constant 0 : i32
    %c0_i32_0 = arith.constant 0 : i32
    return %arg0, %c0_i32 : i32, i32
  }
  func.func @transform_1(%arg0: i32) -> (i32, i32) {
    %c0_i32 = arith.constant 0 : i32
    %c0_i32_0 = arith.constant 0 : i32
    return %arg0, %c0_i32 : i32, i32
  }
  func.func @transform_2(%arg0: i32) -> (i32, i32) {
    %c0_i32 = arith.constant 0 : i32
    %c0_i32_0 = arith.constant 0 : i32
    %c0_i32_1 = arith.constant 0 : i32
    return %c0_i32, %c0_i32_0 : i32, i32
  }
  func.func @transform_3(%arg0: i32) -> (i32, i32, i32) {
    %c0_i32 = arith.constant 0 : i32
    %c0_i32_0 = arith.constant 0 : i32
    %c0_i32_1 = arith.constant 0 : i32
    %c0_i32_2 = arith.constant 0 : i32
    return %c0_i32, %c0_i32_0, %c0_i32_1 : i32, i32, i32
  }
  func.func @transform_4(%arg0: i32) -> (i32, i32) {
    %c0_i32 = arith.constant 0 : i32
    %c0_i32_0 = arith.constant 0 : i32
    return %arg0, %c0_i32 : i32, i32
  }
}

module attributes {stable_mosaic.version = 14 : i64} {
  func.func @_mlp_body(%arg0: i32, %arg1: memref<4000x128xf32, #tpu.memory_space<vmem>>, %arg2: memref<4000x128xf32, #tpu.memory_space<vmem>>, %arg3: memref<8x128x128xbf16, #tpu.memory_space<vmem>>, %arg4: memref<8x128xf32, #tpu.memory_space<vmem>>, %arg5: memref<4000x128xf32, #tpu.memory_space<vmem>>) attributes {dimension_semantics = [#tpu.dimension_semantics<arbitrary>], iteration_bounds = array<i64: 80>, scalar_prefetch = 0 : i64, scratch_operands = 0 : i64, tpu.core_type = #tpu.core_type<tc>, window_params = [{transform_indices = @transform_0, window_bounds = array<i64: 4000, 128>}, {transform_indices = @transform_1, window_bounds = array<i64: 4000, 128>}, {pipeline_mode = #tpu.pipeline_mode<synchronous>, transform_indices = @transform_2, window_bounds = array<i64: 8, 128, 128>}, {pipeline_mode = #tpu.pipeline_mode<synchronous>, transform_indices = @transform_3, window_bounds = array<i64: 8, 128>}, {transform_indices = @transform_4, window_bounds = array<i64: 4000, 128>}]} {
    %get3A = arith.constant 0 : index
    %get3A_0 = arith.constant 0 : index
    %get3A_1 = vector.load %arg1[%get3A, %get3A_0] : memref<4000x128xf32, #tpu.memory_space<vmem>>, vector<4000x128xf32>
    %get3A_2 = arith.constant 0 : index
    %get3A_3 = arith.constant 0 : index
    %get3A_4 = vector.load %arg2[%get3A_2, %get3A_3] : memref<4000x128xf32, #tpu.memory_space<vmem>>, vector<4000x128xf32>
    %get3A_5 = arith.constant 0 : index
    %get3A_6 = arith.constant 0 : index
    %get3A_7 = arith.constant 0 : index
    %get3A_8 = vector.load %arg3[%get3A_5, %get3A_6, %get3A_7] : memref<8x128x128xbf16, #tpu.memory_space<vmem>>, vector<8x128x128xbf16>
    %get3A_9 = arith.constant 0 : index
    %get3A_10 = arith.constant 0 : index
    %get3A_11 = vector.load %arg4[%get3A_9, %get3A_10] : memref<8x128xf32, #tpu.memory_space<vmem>>, vector<8x128xf32>
    %convert_element_type3A = arith.truncf %get3A_1 : vector<4000x128xf32> to vector<4000x128xbf16>
    %slice3A = vector.extract_strided_slice %get3A_8 {offsets = [0, 0, 0], sizes = [1, 128, 128], strides = [1, 1, 1]} : vector<8x128x128xbf16> to vector<1x128x128xbf16>
    %squeeze3A = vector.shape_cast %slice3A : vector<1x128x128xbf16> to vector<128x128xbf16>
    %dot_general3A = arith.constant dense<0.000000e+00> : vector<4000x128xf32>
    %dot_general3A_12 = tpu.matmul %convert_element_type3A, %squeeze3A, %dot_general3A {dimension_numbers = #tpu.dot_dimension_numbers<[1], [0], [0], [1], [0, 0, 1, 1], [], []>, transpose_lhs_hint = false} : vector<4000x128xbf16>, vector<128x128xbf16>, vector<4000x128xf32> -> vector<4000x128xf32>
    %slice3A_13 = vector.extract_strided_slice %get3A_11 {offsets = [0, 0], sizes = [1, 128], strides = [1, 1]} : vector<8x128xf32> to vector<1x128xf32>
    %squeeze3A_14 = vector.shape_cast %slice3A_13 : vector<1x128xf32> to vector<128xf32>
    %broadcast_in_dim3A = vector.shape_cast %squeeze3A_14 : vector<128xf32> to vector<1x128xf32>
    %add3A = vector.broadcast %broadcast_in_dim3A : vector<1x128xf32> to vector<4000x128xf32>
    %add3A_15 = arith.addf %dot_general3A_12, %add3A : vector<4000x128xf32>
    %logistic3A = arith.negf %add3A_15 : vector<4000x128xf32>
    %logistic3A_16 = math.exp %logistic3A : vector<4000x128xf32>
    %logistic3A_17 = arith.constant 1.000000e+00 : f32
    %logistic3A_18 = vector.broadcast %logistic3A_17 : f32 to vector<4000x128xf32>
    %logistic3A_19 = arith.addf %logistic3A_18, %logistic3A_16 : vector<4000x128xf32>
    %logistic3A_20 = arith.divf %logistic3A_18, %logistic3A_19 : vector<4000x128xf32>
    %mul3A = arith.mulf %add3A_15, %logistic3A_20 : vector<4000x128xf32>
    %convert_element_type3A_21 = arith.truncf %mul3A : vector<4000x128xf32> to vector<4000x128xbf16>
    %slice3A_22 = vector.extract_strided_slice %get3A_8 {offsets = [1, 0, 0], sizes = [1, 128, 128], strides = [1, 1, 1]} : vector<8x128x128xbf16> to vector<1x128x128xbf16>
    %squeeze3A_23 = vector.shape_cast %slice3A_22 : vector<1x128x128xbf16> to vector<128x128xbf16>
    %dot_general3A_24 = arith.constant dense<0.000000e+00> : vector<4000x128xf32>
    %dot_general3A_25 = tpu.matmul %convert_element_type3A_21, %squeeze3A_23, %dot_general3A_24 {dimension_numbers = #tpu.dot_dimension_numbers<[1], [0], [0], [1], [0, 0, 1, 1], [], []>, transpose_lhs_hint = false} : vector<4000x128xbf16>, vector<128x128xbf16>, vector<4000x128xf32> -> vector<4000x128xf32>
    %slice3A_26 = vector.extract_strided_slice %get3A_11 {offsets = [1, 0], sizes = [1, 128], strides = [1, 1]} : vector<8x128xf32> to vector<1x128xf32>
    %squeeze3A_27 = vector.shape_cast %slice3A_26 : vector<1x128xf32> to vector<128xf32>
    %broadcast_in_dim3A_28 = vector.shape_cast %squeeze3A_27 : vector<128xf32> to vector<1x128xf32>
    %add3A_29 = vector.broadcast %broadcast_in_dim3A_28 : vector<1x128xf32> to vector<4000x128xf32>
    %add3A_30 = arith.addf %dot_general3A_25, %add3A_29 : vector<4000x128xf32>
    %logistic3A_31 = arith.negf %add3A_30 : vector<4000x128xf32>
    %logistic3A_32 = math.exp %logistic3A_31 : vector<4000x128xf32>
    %logistic3A_33 = arith.constant 1.000000e+00 : f32
    %logistic3A_34 = vector.broadcast %logistic3A_33 : f32 to vector<4000x128xf32>
    %logistic3A_35 = arith.addf %logistic3A_34, %logistic3A_32 : vector<4000x128xf32>
    %logistic3A_36 = arith.divf %logistic3A_34, %logistic3A_35 : vector<4000x128xf32>
    %mul3A_37 = arith.mulf %add3A_30, %logistic3A_36 : vector<4000x128xf32>
    %add3A_38 = arith.addf %get3A_1, %mul3A_37 : vector<4000x128xf32>
    %convert_element_type3A_39 = arith.truncf %add3A_38 : vector<4000x128xf32> to vector<4000x128xbf16>
    %slice3A_40 = vector.extract_strided_slice %get3A_8 {offsets = [2, 0, 0], sizes = [1, 128, 128], strides = [1, 1, 1]} : vector<8x128x128xbf16> to vector<1x128x128xbf16>
    %squeeze3A_41 = vector.shape_cast %slice3A_40 : vector<1x128x128xbf16> to vector<128x128xbf16>
    %dot_general3A_42 = arith.constant dense<0.000000e+00> : vector<4000x128xf32>
    %dot_general3A_43 = tpu.matmul %convert_element_type3A_39, %squeeze3A_41, %dot_general3A_42 {dimension_numbers = #tpu.dot_dimension_numbers<[1], [0], [0], [1], [0, 0, 1, 1], [], []>, transpose_lhs_hint = false} : vector<4000x128xbf16>, vector<128x128xbf16>, vector<4000x128xf32> -> vector<4000x128xf32>
    %slice3A_44 = vector.extract_strided_slice %get3A_11 {offsets = [2, 0], sizes = [1, 128], strides = [1, 1]} : vector<8x128xf32> to vector<1x128xf32>
    %squeeze3A_45 = vector.shape_cast %slice3A_44 : vector<1x128xf32> to vector<128xf32>
    %broadcast_in_dim3A_46 = vector.shape_cast %squeeze3A_45 : vector<128xf32> to vector<1x128xf32>
    %add3A_47 = vector.broadcast %broadcast_in_dim3A_46 : vector<1x128xf32> to vector<4000x128xf32>
    %add3A_48 = arith.addf %dot_general3A_43, %add3A_47 : vector<4000x128xf32>
    %logistic3A_49 = arith.negf %add3A_48 : vector<4000x128xf32>
    %logistic3A_50 = math.exp %logistic3A_49 : vector<4000x128xf32>
    %logistic3A_51 = arith.constant 1.000000e+00 : f32
    %logistic3A_52 = vector.broadcast %logistic3A_51 : f32 to vector<4000x128xf32>
    %logistic3A_53 = arith.addf %logistic3A_52, %logistic3A_50 : vector<4000x128xf32>
    %logistic3A_54 = arith.divf %logistic3A_52, %logistic3A_53 : vector<4000x128xf32>
    %mul3A_55 = arith.mulf %add3A_48, %logistic3A_54 : vector<4000x128xf32>
    %add3A_56 = arith.addf %mul3A_55, %get3A_4 : vector<4000x128xf32>
    %convert_element_type3A_57 = arith.truncf %add3A_56 : vector<4000x128xf32> to vector<4000x128xbf16>
    %slice3A_58 = vector.extract_strided_slice %get3A_8 {offsets = [3, 0, 0], sizes = [1, 128, 128], strides = [1, 1, 1]} : vector<8x128x128xbf16> to vector<1x128x128xbf16>
    %squeeze3A_59 = vector.shape_cast %slice3A_58 : vector<1x128x128xbf16> to vector<128x128xbf16>
    %dot_general3A_60 = arith.constant dense<0.000000e+00> : vector<4000x128xf32>
    %dot_general3A_61 = tpu.matmul %convert_element_type3A_57, %squeeze3A_59, %dot_general3A_60 {dimension_numbers = #tpu.dot_dimension_numbers<[1], [0], [0], [1], [0, 0, 1, 1], [], []>, transpose_lhs_hint = false} : vector<4000x128xbf16>, vector<128x128xbf16>, vector<4000x128xf32> -> vector<4000x128xf32>
    %slice3A_62 = vector.extract_strided_slice %get3A_11 {offsets = [3, 0], sizes = [1, 128], strides = [1, 1]} : vector<8x128xf32> to vector<1x128xf32>
    %squeeze3A_63 = vector.shape_cast %slice3A_62 : vector<1x128xf32> to vector<128xf32>
    %broadcast_in_dim3A_64 = vector.shape_cast %squeeze3A_63 : vector<128xf32> to vector<1x128xf32>
    %add3A_65 = vector.broadcast %broadcast_in_dim3A_64 : vector<1x128xf32> to vector<4000x128xf32>
    %add3A_66 = arith.addf %dot_general3A_61, %add3A_65 : vector<4000x128xf32>
    %logistic3A_67 = arith.negf %add3A_66 : vector<4000x128xf32>
    %logistic3A_68 = math.exp %logistic3A_67 : vector<4000x128xf32>
    %logistic3A_69 = arith.constant 1.000000e+00 : f32
    %logistic3A_70 = vector.broadcast %logistic3A_69 : f32 to vector<4000x128xf32>
    %logistic3A_71 = arith.addf %logistic3A_70, %logistic3A_68 : vector<4000x128xf32>
    %logistic3A_72 = arith.divf %logistic3A_70, %logistic3A_71 : vector<4000x128xf32>
    %mul3A_73 = arith.mulf %add3A_66, %logistic3A_72 : vector<4000x128xf32>
    %convert_element_type3A_74 = arith.truncf %mul3A_73 : vector<4000x128xf32> to vector<4000x128xbf16>
    %slice3A_75 = vector.extract_strided_slice %get3A_8 {offsets = [4, 0, 0], sizes = [1, 128, 128], strides = [1, 1, 1]} : vector<8x128x128xbf16> to vector<1x128x128xbf16>
    %squeeze3A_76 = vector.shape_cast %slice3A_75 : vector<1x128x128xbf16> to vector<128x128xbf16>
    %dot_general3A_77 = arith.constant dense<0.000000e+00> : vector<4000x128xf32>
    %dot_general3A_78 = tpu.matmul %convert_element_type3A_74, %squeeze3A_76, %dot_general3A_77 {dimension_numbers = #tpu.dot_dimension_numbers<[1], [0], [0], [1], [0, 0, 1, 1], [], []>, transpose_lhs_hint = false} : vector<4000x128xbf16>, vector<128x128xbf16>, vector<4000x128xf32> -> vector<4000x128xf32>
    %slice3A_79 = vector.extract_strided_slice %get3A_11 {offsets = [4, 0], sizes = [1, 128], strides = [1, 1]} : vector<8x128xf32> to vector<1x128xf32>
    %squeeze3A_80 = vector.shape_cast %slice3A_79 : vector<1x128xf32> to vector<128xf32>
    %broadcast_in_dim3A_81 = vector.shape_cast %squeeze3A_80 : vector<128xf32> to vector<1x128xf32>
    %add3A_82 = vector.broadcast %broadcast_in_dim3A_81 : vector<1x128xf32> to vector<4000x128xf32>
    %add3A_83 = arith.addf %dot_general3A_78, %add3A_82 : vector<4000x128xf32>
    %logistic3A_84 = arith.negf %add3A_83 : vector<4000x128xf32>
    %logistic3A_85 = math.exp %logistic3A_84 : vector<4000x128xf32>
    %logistic3A_86 = arith.constant 1.000000e+00 : f32
    %logistic3A_87 = vector.broadcast %logistic3A_86 : f32 to vector<4000x128xf32>
    %logistic3A_88 = arith.addf %logistic3A_87, %logistic3A_85 : vector<4000x128xf32>
    %logistic3A_89 = arith.divf %logistic3A_87, %logistic3A_88 : vector<4000x128xf32>
    %mul3A_90 = arith.mulf %add3A_83, %logistic3A_89 : vector<4000x128xf32>
    %add3A_91 = arith.addf %add3A_56, %mul3A_90 : vector<4000x128xf32>
    %convert_element_type3A_92 = arith.truncf %add3A_91 : vector<4000x128xf32> to vector<4000x128xbf16>
    %slice3A_93 = vector.extract_strided_slice %get3A_8 {offsets = [5, 0, 0], sizes = [1, 128, 128], strides = [1, 1, 1]} : vector<8x128x128xbf16> to vector<1x128x128xbf16>
    %squeeze3A_94 = vector.shape_cast %slice3A_93 : vector<1x128x128xbf16> to vector<128x128xbf16>
    %dot_general3A_95 = arith.constant dense<0.000000e+00> : vector<4000x128xf32>
    %dot_general3A_96 = tpu.matmul %convert_element_type3A_92, %squeeze3A_94, %dot_general3A_95 {dimension_numbers = #tpu.dot_dimension_numbers<[1], [0], [0], [1], [0, 0, 1, 1], [], []>, transpose_lhs_hint = false} : vector<4000x128xbf16>, vector<128x128xbf16>, vector<4000x128xf32> -> vector<4000x128xf32>
    %slice3A_97 = vector.extract_strided_slice %get3A_11 {offsets = [5, 0], sizes = [1, 128], strides = [1, 1]} : vector<8x128xf32> to vector<1x128xf32>
    %squeeze3A_98 = vector.shape_cast %slice3A_97 : vector<1x128xf32> to vector<128xf32>
    %broadcast_in_dim3A_99 = vector.shape_cast %squeeze3A_98 : vector<128xf32> to vector<1x128xf32>
    %add3A_100 = vector.broadcast %broadcast_in_dim3A_99 : vector<1x128xf32> to vector<4000x128xf32>
    %add3A_101 = arith.addf %dot_general3A_96, %add3A_100 : vector<4000x128xf32>
    %logistic3A_102 = arith.negf %add3A_101 : vector<4000x128xf32>
    %logistic3A_103 = math.exp %logistic3A_102 : vector<4000x128xf32>
    %logistic3A_104 = arith.constant 1.000000e+00 : f32
    %logistic3A_105 = vector.broadcast %logistic3A_104 : f32 to vector<4000x128xf32>
    %logistic3A_106 = arith.addf %logistic3A_105, %logistic3A_103 : vector<4000x128xf32>
    %logistic3A_107 = arith.divf %logistic3A_105, %logistic3A_106 : vector<4000x128xf32>
    %mul3A_108 = arith.mulf %add3A_101, %logistic3A_107 : vector<4000x128xf32>
    %convert_element_type3A_109 = arith.truncf %mul3A_108 : vector<4000x128xf32> to vector<4000x128xbf16>
    %slice3A_110 = vector.extract_strided_slice %get3A_8 {offsets = [6, 0, 0], sizes = [1, 128, 128], strides = [1, 1, 1]} : vector<8x128x128xbf16> to vector<1x128x128xbf16>
    %squeeze3A_111 = vector.shape_cast %slice3A_110 : vector<1x128x128xbf16> to vector<128x128xbf16>
    %dot_general3A_112 = arith.constant dense<0.000000e+00> : vector<4000x128xf32>
    %dot_general3A_113 = tpu.matmul %convert_element_type3A_109, %squeeze3A_111, %dot_general3A_112 {dimension_numbers = #tpu.dot_dimension_numbers<[1], [0], [0], [1], [0, 0, 1, 1], [], []>, transpose_lhs_hint = false} : vector<4000x128xbf16>, vector<128x128xbf16>, vector<4000x128xf32> -> vector<4000x128xf32>
    %slice3A_114 = vector.extract_strided_slice %get3A_11 {offsets = [6, 0], sizes = [1, 128], strides = [1, 1]} : vector<8x128xf32> to vector<1x128xf32>
    %squeeze3A_115 = vector.shape_cast %slice3A_114 : vector<1x128xf32> to vector<128xf32>
    %broadcast_in_dim3A_116 = vector.shape_cast %squeeze3A_115 : vector<128xf32> to vector<1x128xf32>
    %add3A_117 = vector.broadcast %broadcast_in_dim3A_116 : vector<1x128xf32> to vector<4000x128xf32>
    %add3A_118 = arith.addf %dot_general3A_113, %add3A_117 : vector<4000x128xf32>
    %logistic3A_119 = arith.negf %add3A_118 : vector<4000x128xf32>
    %logistic3A_120 = math.exp %logistic3A_119 : vector<4000x128xf32>
    %logistic3A_121 = arith.constant 1.000000e+00 : f32
    %logistic3A_122 = vector.broadcast %logistic3A_121 : f32 to vector<4000x128xf32>
    %logistic3A_123 = arith.addf %logistic3A_122, %logistic3A_120 : vector<4000x128xf32>
    %logistic3A_124 = arith.divf %logistic3A_122, %logistic3A_123 : vector<4000x128xf32>
    %mul3A_125 = arith.mulf %add3A_118, %logistic3A_124 : vector<4000x128xf32>
    %add3A_126 = arith.addf %add3A_91, %mul3A_125 : vector<4000x128xf32>
    %convert_element_type3A_127 = arith.truncf %add3A_126 : vector<4000x128xf32> to vector<4000x128xbf16>
    %slice3A_128 = vector.extract_strided_slice %get3A_8 {offsets = [7, 0, 0], sizes = [1, 128, 128], strides = [1, 1, 1]} : vector<8x128x128xbf16> to vector<1x128x128xbf16>
    %squeeze3A_129 = vector.shape_cast %slice3A_128 : vector<1x128x128xbf16> to vector<128x128xbf16>
    %dot_general3A_130 = arith.constant dense<0.000000e+00> : vector<4000x128xf32>
    %dot_general3A_131 = tpu.matmul %convert_element_type3A_127, %squeeze3A_129, %dot_general3A_130 {dimension_numbers = #tpu.dot_dimension_numbers<[1], [0], [0], [1], [0, 0, 1, 1], [], []>, transpose_lhs_hint = false} : vector<4000x128xbf16>, vector<128x128xbf16>, vector<4000x128xf32> -> vector<4000x128xf32>
    %slice3A_132 = vector.extract_strided_slice %get3A_11 {offsets = [7, 0], sizes = [1, 128], strides = [1, 1]} : vector<8x128xf32> to vector<1x128xf32>
    %squeeze3A_133 = vector.shape_cast %slice3A_132 : vector<1x128xf32> to vector<128xf32>
    %broadcast_in_dim3A_134 = vector.shape_cast %squeeze3A_133 : vector<128xf32> to vector<1x128xf32>
    %add3A_135 = vector.broadcast %broadcast_in_dim3A_134 : vector<1x128xf32> to vector<4000x128xf32>
    %add3A_136 = arith.addf %dot_general3A_131, %add3A_135 : vector<4000x128xf32>
    %logistic3A_137 = arith.negf %add3A_136 : vector<4000x128xf32>
    %logistic3A_138 = math.exp %logistic3A_137 : vector<4000x128xf32>
    %logistic3A_139 = arith.constant 1.000000e+00 : f32
    %logistic3A_140 = vector.broadcast %logistic3A_139 : f32 to vector<4000x128xf32>
    %logistic3A_141 = arith.addf %logistic3A_140, %logistic3A_138 : vector<4000x128xf32>
    %logistic3A_142 = arith.divf %logistic3A_140, %logistic3A_141 : vector<4000x128xf32>
    %mul3A_143 = arith.mulf %add3A_136, %logistic3A_142 : vector<4000x128xf32>
    %swap3A = arith.constant 0 : index
    %swap3A_144 = arith.constant 0 : index
    %swap3A_145 = vector.load %arg5[%swap3A, %swap3A_144] : memref<4000x128xf32, #tpu.memory_space<vmem>>, vector<4000x128xf32>
    tpu.vector_store %arg5[%swap3A, %swap3A_144], %mul3A_143 {strides = array<i32>} : memref<4000x128xf32, #tpu.memory_space<vmem>>, vector<4000x128xf32>,
    return
  }
  func.func @transform_0(%arg0: i32) -> (i32, i32) {
    %c0_i32 = arith.constant 0 : i32
    %c0_i32_0 = arith.constant 0 : i32
    return %arg0, %c0_i32 : i32, i32
  }
  func.func @transform_1(%arg0: i32) -> (i32, i32) {
    %c0_i32 = arith.constant 0 : i32
    %c0_i32_0 = arith.constant 0 : i32
    return %arg0, %c0_i32 : i32, i32
  }
  func.func @transform_2(%arg0: i32) -> (i32, i32, i32) {
    %c0_i32 = arith.constant 0 : i32
    %c0_i32_0 = arith.constant 0 : i32
    %c0_i32_1 = arith.constant 0 : i32
    %c0_i32_2 = arith.constant 0 : i32
    return %c0_i32, %c0_i32_0, %c0_i32_1 : i32, i32, i32
  }
  func.func @transform_3(%arg0: i32) -> (i32, i32) {
    %c0_i32 = arith.constant 0 : i32
    %c0_i32_0 = arith.constant 0 : i32
    %c0_i32_1 = arith.constant 0 : i32
    return %c0_i32, %c0_i32_0 : i32, i32
  }
  func.func @transform_4(%arg0: i32) -> (i32, i32) {
    %c0_i32 = arith.constant 0 : i32
    %c0_i32_0 = arith.constant 0 : i32
    return %arg0, %c0_i32 : i32, i32
  }
}

</mosaic_0001>

<sc_bundles>
// kernel: kernel.10.cloned.1.call-start
scs
__scs_entry_jumppad:
0x0: {  	(pc) =	sbr.rel $0x88, $3  }
0x1: {  	(tag) =	ssettag $0x0;
	lr =	simm.s32 $0x1  }
0x2: {  	[smem:$0x3F85] =	sst lr;
	_ =	strace $0xD0000000  }
0x3: {  	_ = 	snop  }
0x4: {  	_ = 	snop  }
0x5: {  	_ = 	snop  }
0x6: {  	_ = 	snop  }
0x7: {  	_ = 	snop  }
__scs_overlays_trampoline_lowered:
0x8: {  	[smem:$0x3F94] =	sst s0  }
0x9: {  	[smem:$0x3F95] =	sst s1  }
0xa: {  	[smem:$0x3F96] =	sst s2  }
0xb: {  	[smem:$0x3F97] =	sst s3  }
0xc: {  	[smem:$0x3F98] =	sst s4  }
0xd: {  	[smem:$0x3F99] =	sst s5  }
0xe: {  	[smem:$0x3F9A] =	sst s6  }
0xf: {  	[smem:$0x3F9B] =	sst s7  }
0x10: {  	[smem:$0x3F9C] =	sst s8  }
0x11: {  	[smem:$0x3F9D] =	sst s9;
	s0 =	simm.s32 @!p0 $0x0  }
0x12: {  	s1 =	sld [smem:$0x3F83];
	s0 =	simm.s32 @p0 $0x1  }
0x13: {  	[smem:$0x3F9E] =	sst s0;
	s0 =	simm.s32 @!p1 $0x0  }
0x14: {  	s2 =	sld [smem:$0x3F82];
	s0 =	simm.s32 @p1 $0x1  }
0x15: {  	[smem:$0x3F9F] =	sst s0;
	s0 =	simm.s32 @!p2 $0x0  }
0x16: {  	s3 =	sld [smem:$0x3FDB];
	s0 =	simm.s32 @p2 $0x1  }
0x17: {  	s4 =	simm.s32 $0x1BF5;
	[smem:$0x3FA1] =	sst s0  }
0x18: {  	s0 =	sld [smem:$0x3F84];
	_ =	swait.ge [sflag:s4], $0x0  }
0x19: {  	s7 =	sld [smem:$0x3F85]  }
0x1a: {  	s8 =	sadd.s32 $0xFFFFE003, lr  }
0x1b: {  	s9 =	sadd.s32 $0xFFFFFEF7, lr;
	s5 =	simm.s32 $0xFFFFFFFF;
	p2 =	slt.u32 s8, $0xFFFFF086  }
0x1c: {  	p1 =	slt.u32 s9, $0xF7A;
	s5 =	simm.s32 @!p2 $0x0  }
0x1d: {  	s5 =	simm.s32 @p1 $0x1;
	p0 =	seq.s32 s7, s2  }
0x1e: {  	s7 =	smul.u32 @!p0 $0xF7A, s2;
	p2 =	seq.s32 @!p0 s5, $0x0  }
0x1f: {  	s9 =	smul.u32 $0xF7A, s1;
	s8 =	simm.s32 @!p0 $0x1BF5;
	p2 =	por !p2, p0  }
0x20: {  	[sflag:s8] =	ssyncset.s32 @!p0 $0xFFFFF086;
	s6 =	sadd.s32 @!p0 s3, s7;
	s7 =	simm.s32 @!p0 $0x108  }
0x21: {  	s3 =	sadd.s32 s3, s9;
	s6 =	sadd.s32 @!p0 $0x88, s6;
	s7 =	simm.s32 @p2 $0x1082  }
0x22: {  	[simem:s7], [sflag:s8] =	dma.local @!p0 [hbm:s6], $0xF7A  }
0x23: {  	s9 =	sor.u32 $0xD0000000, s2;
	s6 =	simm.s32 $0x108;
	_ =	swait.ge @!p0 [sflag:s8], $0x0  }
0x24: {  	s3 =	sadd.s32 $0x88, s3;
	s6 =	simm.s32 @!p1 $0x1082;
	[sflag:s4] =	ssyncset.s32 $0xFFFFF086  }
0x25: {  	[simem:s6], [sflag:s4] =	dma.local [hbm:s3], $0xF7A  }
0x26: {  	[smem:$0x3F85] =	sst s1;
	(tag) =	ssettag s2;
	_ =	strace s9  }
0x27: {  	s1 =	sld [smem:$0x3F95]  }
0x28: {  	s2 =	sld [smem:$0x3F96]  }
0x29: {  	s4 =	sld [smem:$0x3F98]  }
0x2a: {  	p0 =	seq.s32 s5, $0x0;
	s5 =	sld [smem:$0x3F99]  }
0x2b: {  	s6 =	sld [smem:$0x3F9A]  }
0x2c: {  	s7 =	sld [smem:$0x3F9B]  }
0x2d: {  	s3 =	simm.s32 $0x108;
	s8 =	sld [smem:$0x3F9C]  }
0x2e: {  	s3 =	simm.s32 @!p0 $0x1082;
	s9 =	sld [smem:$0x3F9D]  }
0x2f: {  	lr =	sadd.s32 s0, s3;
	s0 =	sld [smem:$0x3F94]  }
0x30: {  	s3 =	sld [smem:$0x3F97]  }
0x31: {  	[smem:$0x3FA0] =	sst s10  }
0x32: {  	s10 =	sld [smem:$0x3F9E];
	_ =	sdelay $0x3  }
0x33: {  	p0 =	seq.s32 s10, $0x1;
	s10 =	sld [smem:$0x3FA0];
	_ =	sdelay $0x3  }
0x34: {  	[smem:$0x3FA0] =	sst s10  }
0x35: {  	s10 =	sld [smem:$0x3F9F];
	_ =	sdelay $0x3  }
0x36: {  	p1 =	seq.s32 s10, $0x1;
	s10 =	sld [smem:$0x3FA0];
	_ =	sdelay $0x3  }
0x37: {  	[smem:$0x3FA0] =	sst s10  }
0x38: {  	s10 =	sld [smem:$0x3FA1]  }
0x39: {  	_ = 	snop;
	(pc) =	sbr.ind lr, $3  }
0x3a: {  	_ = 	snop  }
0x3b: {  	_ = 	snop  }
0x3c: {  	p2 =	seq.s32 s10, $0x1;
	s10 =	sld [smem:$0x3FA0]  }
0x3d: {  	_ =	shalt  }
0x3e: {  	_ =	shalt  }
0x3f: {  	_ =	shalt  }
0x40: {  	_ =	shalt  }
0x41: {  	_ =	shalt  }
0x42: {  	_ =	shalt  }
0x43: {  	_ =	shalt  }
0x44: {  	_ =	shalt  }
0x45: {  	_ =	shalt  }
0x46: {  	_ =	shalt  }
0x47: {  	_ =	shalt  }
0x48: {  	_ =	shalt  }
0x49: {  	_ =	shalt  }
0x4a: {  	_ =	shalt  }
0x4b: {  	_ =	shalt  }
0x4c: {  	_ =	shalt  }
0x4d: {  	_ =	shalt  }
0x4e: {  	_ =	shalt  }
0x4f: {  	_ =	shalt  }
0x50: {  	_ =	shalt  }
0x51: {  	_ =	shalt  }
0x52: {  	_ =	shalt  }
0x53: {  	_ =	shalt  }
0x54: {  	_ =	shalt  }
0x55: {  	_ =	shalt  }
0x56: {  	_ =	shalt  }
0x57: {  	_ =	shalt  }
0x58: {  	_ =	shalt  }
0x59: {  	_ =	shalt  }
0x5a: {  	_ =	shalt  }
0x5b: {  	_ =	shalt  }
0x5c: {  	_ =	shalt  }
0x5d: {  	_ =	shalt  }
0x5e: {  	_ =	shalt  }
0x5f: {  	_ =	shalt  }
0x60: {  	_ =	shalt  }
0x61: {  	_ =	shalt  }
0x62: {  	_ =	shalt  }
0x63: {  	_ =	shalt  }
0x64: {  	_ =	shalt  }
0x65: {  	_ =	shalt  }
0x66: {  	_ =	shalt  }
0x67: {  	_ =	shalt  }
0x68: {  	_ =	shalt  }
0x69: {  	_ =	shalt  }
0x6a: {  	_ =	shalt  }
0x6b: {  	_ =	shalt  }
0x6c: {  	_ =	shalt  }
0x6d: {  	_ =	shalt  }
0x6e: {  	_ =	shalt  }
0x6f: {  	_ =	shalt  }
0x70: {  	_ =	shalt  }
0x71: {  	_ =	shalt  }
0x72: {  	_ =	shalt  }
0x73: {  	_ =	shalt  }
0x74: {  	_ =	shalt  }
0x75: {  	_ =	shalt  }
0x76: {  	_ =	shalt  }
0x77: {  	_ =	shalt  }
0x78: {  	_ =	shalt  }
0x79: {  	_ =	shalt  }
0x7a: {  	_ =	shalt  }
0x7b: {  	_ =	shalt  }
0x7c: {  	_ =	shalt  }
0x7d: {  	_ =	shalt  }
0x7e: {  	_ =	shalt  }
0x7f: {  	_ =	shalt  }
0x80: {  	_ =	shalt  }
0x81: {  	_ =	shalt  }
0x82: {  	_ =	shalt  }
0x83: {  	_ =	shalt  }
0x84: {  	_ =	shalt  }
0x85: {  	_ =	shalt  }
0x86: {  	_ =	shalt  }
0x87: {  	_ =	shalt  }
.Lfunc_end0:
.L_simem_size_0:
called_computation.1_lowered:
.L_overlay_start_0:
0x88: {  	s2 =	sld [smem:$0x3FD9]  }
0x89: {  	s3 =	sld [smem:$0x3FFE];
	_ =	sdelay $0x1  }
0x8a: {  	s1 =	srdreg.scid  }
0x8b: {  	s0 =	sand.u32 $0x1, s1  }
0x8c: {  	s17 =	sshll.u32 s0, $0xA;
	s2 =	sadd.s32 s3, s2  }
0x8d: {  	s2 =	sadd.s32 s2, s17  }
0x8e: {  	[smem:$0x3FAC] =	sst s2  }
0x8f: {  	_ = 	snop  }
0x90: {  	s2 =	sld [smem:$0x3FC5];
	(tm) =	ssettm $0x1  }
0x91: {  	s18 =	sld [smem:$0x3FFB];
	_ =	sdelay $0x3  }
0x92: {  	_ =	strace s18  }
0x93: {  	s3 =	sld [smem:$0x3FFC];
	_ =	sdelay $0x3  }
0x94: {  	_ =	strace s3  }
0x95: {  	s3 =	sld [smem:$0x3FFD];
	_ =	sdelay $0x3  }
0x96: {  	_ =	strace s3  }
0x97: {  	_ =	strace $0x8FFFFFFF  }
0x98: {  	s19 =	sld [smem:$0x3FDB];
	_ =	sdelay $0x1  }
0x99: {  	s4 =	simm.s32 $_scs_section_size  }
0x9a: {  	s5 =	simm.s32 $_size__tile_overlayer_lowered;
	s6 =	simm.s32 $_tile_overlayer_lowered  }
0x9b: {  	s22 =	simm.s32 $0x1BFF;
	s21 =	sshll.u32 s6, $0x1;
	s3 =	sadd.s32 s4, s19  }
0x9c: {  	s7 =	simm.s32 $0x0;
	s20 =	sshll.u32 s5, $0x1;
	s5 =	sadd.s32 s21, s3  }
0x9d: {  	[timem:s7], [sflag:s22] =	dma.local [hbm:s5], s20  }
0x9e: {  	_ =	swait.ge [sflag:s22], s20  }
0x9f: {  	s4 =	ssub.s32 $0x0, s20;
	[sflag:s22] =	ssyncset.done $0x0  }
0xa0: {  	[sflag:s22] =	ssyncadd.s32 s4;
	_ =	sdelay $0x1  }
0xa1: {  	s23 =	simm.s32 $0x1B8B  }
0xa2: {  	_ =	swait.ge [sflag:s23], $0x1  }
0xa3: {  	[sflag:s23] =	ssyncset.done $0x0  }
0xa4: {  	s25 =	simm.s32 $0x1B8E;
	s24 =	sld [smem:$0x3FFE];
	[sflag:s23] =	ssyncadd.s32 $0xFFFFFFFF  }
0xa5: {  	s26 =	simm.s32 $execute0_lowered;
	[smem:$0x3FD2] =	sst s25  }
0xa6: {  	s5 =	sshll.u32 s26, $0x1;
	_ =	strace $0x80000049;
	[dreg:$0x1] =	wrdreg $0xFFFFFFFF  }
0xa7: {  	s28 =	simm.s32 $_size_execute0_lowered;
	s3 =	sadd.s32 s3, s5;
	[dreg:$0x0] =	wrdreg $0x0  }
0xa8: {  	s5 =	sshll.u32 s28, $0x1;
	[dreg:$0x2] =	wrdreg s3  }
0xa9: {  	[dreg:$0x3] =	wrdreg s5  }
0xaa: {  	[dreg:$0x4] =	wrdreg $0xC0  }
0xab: {  	_ =	task [dreg:s7], $0x5FFFF  }
0xac: {  	[dreg:$0x1] =	wrdreg $0xFFFFFFFF  }
0xad: {  	[dreg:$0x0] =	wrdreg $0x60  }
0xae: {  	[dreg:$0x2] =	wrdreg s24  }
0xaf: {  	[dreg:$0x3] =	wrdreg s2  }
0xb0: {  	[dreg:$0x4] =	wrdreg $0x5A800  }
0xb1: {  	[dreg:$0x5] =	wrdreg $0x9  }
0xb2: {  	_ =	task.clear_ibuf [dreg:s7], $0x6FFFF;
	_ =	strace $0x90000049  }
0xb3: {  	s29 =	simm.s32 $0x9;
	_ =	strace $0x8000004B  }
0xb4: {  	_ =	swait.ge [sflag:s29], $0x1  }
0xb5: {  	[sflag:s29] =	ssyncadd.s32 $0xFFFFFFFF  }
0xb6: {  	_ =	strace $0x9000004B  }
0xb7: {  	_ =	sfence  }
0xb8: {  	s30 =	sld [smem:$0x0];
	_ =	sdelay $0x2  }
0xb9: {  	s31 =	sshll.u32 s1, $0xD;
	s1 =	sshrl.u32 s1, $0x2  }
0xba: {  	s3 =	sand.u32 $0x4000, s31;
	s1 =	sadd.s32 s1, s30  }
0xbb: {  	s0 =	sor.u32 s3, s0;
	s1 =	sshll.u32 s1, $0x11  }
0xbc: {  	s0 =	sor.u32 s1, s0  }
0xbd: {  	s0 =	sadd.s32 $0x8F2B, s0  }
0xbe: {  	[sflag:s0] =	ssyncadd.remote.s32 $0x1  }
0xbf: {  	_ =	sfence.sel $0xFFFF  }
0xc0: {  	[dreg:$0x0] =	wrdreg $0xFFFFFFFF;
	(pc) =	sbr.abs _section_cstart, $3  }
0xc1: {  	[dreg:$0x1] =	wrdreg $0xFFFFFFFF  }
0xc2: {  	_ =	task.clear_ibuf [dreg:s7], $0x2FFFF;
	_ =	strace $0x9FFFFFFF  }
0xc3: {  	(tm) =	ssettm $0x7FFFFFFF  }
tec
execute0_lowered:
.L_overlay_start_1:
0x0: {  	(tag) =	ssettag $0x1  }
0x1: {  	s8 =	rddreg [dreg:$0x0]  }
0x2: {  	s1 =	rddreg [dreg:$0x1]  }
0x3: {  	s2 =	rddreg [dreg:$0x2]  }
0x4: {  	s4 =	simm.s32 $0x0;
	s3 =	srdreg.scid;
	s0 =	stileid.u32  }
0x5: {  	s14 =	simm.s32 $0x2;
	s15 =	simm.s32 $0x680;
	s16 =	simm.s32 $0x780  }
0x6: {  	s17 =	simm.s32 $0xA0;
	s18 =	simm.s32 $0x880;
	s19 =	simm.s32 $0xA80  }
0x7: {  	s20 =	simm.s32 $0x1;
	s21 =	simm.s32 $0x980;
	[smem:$0x7FF] =	sst s4  }
0x8: {  	s5 =	sand.u32 $0x1, s3;
	s10 =	smul.u32 $0x69000, s0;
	s6 =	sadd.s32 $0x1D4F800, s8  }
.Ltmp0:
0x9: {  	s7 =	sadd.s32 $0x4E5800, s8;
	s8 =	sadd.s32 $0x3800, s8;
	(pc) =	sbr.rel .LBB2_1-.Ltmp0, $4  }
0xa: {  	v0 =	vimm.s32 $0x0;
	v1 =	vlaneseq.u32;
	s12 =	sshll.u32 s0, $0x6;
	_ =	strace $0x8000004A;
	s9 =	ssub.s32 $0x2, s5  }
0xb: {  	v2 =	vor.u32 $0x10, v1;
	v3 =	vor.u32 $0x20, v1;
	v4 =	vor.u32 $0x30, v1;
	s12 =	sor.u32 $0x1C02, s12;
	s11 =	sshrl.u32 s9, $0x1;
	s31 =	sshrl.u32 s10, $0x2  }
0xc: {  	v5 =	vor.u32 $0x40, v1;
	v6 =	vor.u32 $0x50, v1;
	v7 =	vor.u32 $0x60, v1;
	s10 =	smul.u32 $0x9C40, s0;
	s11 =	ssub.s32 s9, s11;
	s13 =	sadd.s32 s31, s2  }
0xd: {  	v8 =	vor.u32 $0x70, v1;
	v9 =	vor.u32 $0x80, v1;
	v10 =	vor.u32 $0x90, v1;
	s9 =	smul.u32 $0x348, s0;
	s11 =	smax.u32 s11, $0x1;
	s13 =	sshrl.u32 s13, $0x3  }
.LBB2_13:
0xe: {  	s4 =	sadd.s32 $0x1, s4  }
0xf: {  	p0 =	sne.s32 s4, s11  }
.Ltmp1:
0x10: {  	_ = 	snop;
	(pc) =	sbr.rel @!p0 .LBB2_14-.Ltmp1, $1  }
0x11: {  	_ =	sdelay $0x3  }
.LBB2_1:
0x12: {  	[tilespmem:$0x680] =	vst v0  }
0x13: {  	[tilespmem:$0x690] =	vst v0  }
0x14: {  	[tilespmem:$0x6A0] =	vst v0  }
0x15: {  	[tilespmem:$0x6B0] =	vst v0  }
0x16: {  	[tilespmem:$0x6C0] =	vst v0  }
.Ltmp2:
0x17: {  	[tilespmem:$0x6D0] =	vst v0;
	(pc) =	sbr.rel .LBB2_2-.Ltmp2, $4  }
0x18: {  	[tilespmem:$0x6E0] =	vst v0  }
0x19: {  	[tilespmem:$0x6F0] =	vst v0  }
0x1a: {  	[tilespmem:$0x700] =	vst v0  }
0x1b: {  	[tilespmem:$0x710] =	vst v0;
	s22 =	simm.s32 $0x0  }
.LBB2_8:
0x1c: {  	p0 =	slt.s32 s30, $0x1  }
.Ltmp3:
0x1d: {  	_ = 	snop;
	(pc) =	sbr.rel @p0 .LBB2_10-.Ltmp3, $1  }
0x1e: {  	_ =	sdelay $0x3  }
0x1f: {  	p0 =	sne.s32 s31, $0x1  }
0x20: {  	s0 =	simm.s32 @!p0 $0x1  }
0x21: {  	_ =	swait.ge @!p0 [sflag:s0], $0x5000  }
0x22: {  	s3 =	simm.s32 @!p0 $0x980;
	[sflag:s0] =	ssyncset.done @!p0 $0x0  }
0x23: {  	s24 =	simm.s32 @!p0 $0xA80;
	[sflag:s0] =	ssyncadd.s32 @!p0 $0xFFFFB000;
	s0 =	simm.s32 @!p0 $0xA0  }
0x24: {  	[spmem:s2] =	stream.indirect.scatter.add.f32 @!p0 [tilespmem:s24], [sflag:$0x2], $0x80, s3, s0, $0xb8;
	[tilespmem:$0x1FEC0] =	vst v63  }
0x25: {  	s0 =	simm.s32 @!p0 $0x2  }
0x26: {  	_ =	swait.ge @!p0 [sflag:s0], $0x5000  }
0x27: {  	[sflag:s0] =	ssyncset.done @!p0 $0x0  }
0x28: {  	[sflag:s0] =	ssyncadd.s32 @!p0 $0xFFFFB000  }
0x29: {  	v11 =	vld [tilespmem:$0x780]  }
0x2a: {  	v12 =	vld [tilespmem:$0x680]  }
0x2b: {  	v15 =	vld [tilespmem:$0x690]  }
0x2c: {  	v17 =	vld [tilespmem:$0x6A0]  }
0x2d: {  	v14 =	vmov s30;
	v51 =	vld [tilespmem:$0x6B0]  }
0x2e: {  	vm0 =	vgt.s32 v14, v1;
	v54 =	vld [tilespmem:$0x6C0]  }
0x2f: {  	v56 =	vld [tilespmem:$0x6D0];
	v11 =	vnsel vm0, $0x3480, v11;
	[tilespmem:$0x880] =	vst v12  }
0x30: {  	[tilespmem:$0x980] =	vst v11;
	v11 =	vld [tilespmem:$0x7B0]  }
0x31: {  	v13 =	vld [tilespmem:$0x790];
	[tilespmem:$0x890] =	vst v15  }
0x32: {  	v57 =	vld [tilespmem:$0x6E0];
	[tilespmem:$0x8A0] =	vst v17  }
0x33: {  	v59 =	vld [tilespmem:$0x6F0];
	[tilespmem:$0x8B0] =	vst v51  }
0x34: {  	vm9 =	vgt.s32 v14, v4;
	v61 =	vld [tilespmem:$0x700];
	[tilespmem:$0x8C0] =	vst v54  }
0x35: {  	v62 =	vld [tilespmem:$0x710];
	[tilespmem:$0x8D0] =	vst v56;
	v11 =	vnsel vm9, $0x3480, v11  }
0x36: {  	[tilespmem:$0x9B0] =	vst v11;
	v11 =	vld [tilespmem:$0x7E0]  }
0x37: {  	v16 =	vld [tilespmem:$0x7A0];
	[tilespmem:$0x8E0] =	vst v57  }
0x38: {  	v52 =	vld [tilespmem:$0x7C0];
	[tilespmem:$0x8F0] =	vst v59  }
0x39: {  	vm7 =	vgt.s32 v14, v2;
	v55 =	vld [tilespmem:$0x7D0];
	[tilespmem:$0x900] =	vst v61  }
0x3a: {  	vm12 =	vgt.s32 v14, v7;
	v60 =	vld [tilespmem:$0x800];
	v50 =	vnsel vm7, $0x3480, v13;
	[tilespmem:$0x910] =	vst v62  }
0x3b: {  	vm8 =	vgt.s32 v14, v3;
	v58 =	vld [tilespmem:$0x7F0];
	[tilespmem:$0x990] =	vst v50;
	v11 =	vnsel vm12, $0x3480, v11  }
0x3c: {  	vm10 =	vgt.s32 v14, v5;
	v53 =	vnsel vm8, $0x3480, v16;
	[tilespmem:$0x9E0] =	vst v11;
	v11 =	vld [tilespmem:$0x810]  }
0x3d: {  	vm11 =	vgt.s32 v14, v6;
	v12 =	vnsel vm10, $0x3480, v52;
	[tilespmem:$0x9A0] =	vst v53  }
0x3e: {  	vm14 =	vgt.s32 v14, v9;
	v15 =	vnsel vm11, $0x3480, v55;
	[tilespmem:$0x9C0] =	vst v12  }
0x3f: {  	vm13 =	vgt.s32 v14, v8;
	v63 =	vnsel vm14, $0x3480, v60;
	[tilespmem:$0x9D0] =	vst v15  }
0x40: {  	vm15 =	vgt.s32 v14, v10;
	v12 =	vnsel vm13, $0x3480, v58;
	[tilespmem:$0xA00] =	vst v63  }
0x41: {  	[tilespmem:$0x9F0] =	vst v12;
	v11 =	vnsel vm15, $0x3480, v11  }
0x42: {  	[tilespmem:$0xA10] =	vst v11  }
0x43: {  	[tilespmem:s19], [sflag:$0x1] =	stream.indirect.gather [hbm4b:s6+s17], $0x80, s18, s17, $0xb8;
	[tilespmem:$0x1FEC0] =	vst v63  }
.LBB2_11:
0x44: {  	_ =	swait.ge [sflag:s20], $0x5000  }
0x45: {  	[sflag:s20] =	ssyncset.done $0x0  }
0x46: {  	[sflag:s20] =	ssyncadd.s32 $0xFFFFB000  }
0x47: {  	[spmem:s2] =	stream.indirect.scatter.add.f32 [tilespmem:s19], [sflag:$0x2], $0x80, s21, s17, $0xb8;
	[tilespmem:$0x1FEC0] =	vst v63  }
0x48: {  	_ =	swait.ge [sflag:s14], $0x5000  }
0x49: {  	[sflag:s14] =	ssyncset.done $0x0  }
0x4a: {  	[sflag:s14] =	ssyncadd.s32 $0xFFFFB000  }
.LBB2_12:
0x4b: {  	s22 =	sadd.s32 $0x1, s22  }
0x4c: {  	p0 =	sne.s32 s22, $0xC  }
.Ltmp4:
0x4d: {  	[bflag:$0x0] =	sbarrier.arrive $0xFFFF;
	s0 =	sadd.s32 s8, s23;
	(pc) =	sbr.rel @!p0 .LBB2_13-.Ltmp4, $4  }
0x4e: {  	[hbm:s0], [sflag:s12] =	dma.local [spmem:s13], $0x3480  }
0x4f: {  	_ =	swait.ge [sflag:s14], $0x3480  }
0x50: {  	[sflag:s14] =	ssyncset.done $0x0  }
0x51: {  	[sflag:s14] =	ssyncadd.s32 $0xFFFFCB80  }
.LBB2_2:
0x52: {  	s23 =	sshll.u32 s22, $0x1  }
0x53: {  	s23 =	sor.u32 s5, s23  }
0x54: {  	s23 =	smul.u32 $0x3480, s23;
	_ =	sdelay $0x1  }
0x55: {  	s24 =	smin.u32 s23, $0x4AD80  }
0x56: {  	s23 =	sadd.s32 s9, s24  }
0x57: {  	s23 =	sshll.u32 s23, $0x4  }
0x58: {  	s25 =	sadd.s32 s7, s23  }
0x59: {  	[spmem:s13], [sflag:s12] =	dma.local [hbm:s25], $0x3480  }
.Ltmp5:
0x5a: {  	_ =	swait.ge [sflag:s14], $0x3480;
	(pc) =	sbr.rel .LBB2_3-.Ltmp5, $4  }
0x5b: {  	[sflag:s14] =	ssyncset.done $0x0  }
0x5c: {  	[sflag:s14] =	ssyncadd.s32 $0xFFFFCB80  }
0x5d: {  	s31 =	simm.s32 $0x0;
	s30 =	simm.s32 $0x0;
	v11 =	vmov s24;
	[bflag:$0x0] =	sbarrier.arrive $0xFFFF  }
0x5e: {  	s26 =	simm.s32 $0x0;
	s24 =	simm.s32 $0x0;
	v12 =	vadd.s32 $0x3480, v11;
	s25 =	smov.u32 s10  }
.LBB2_7:
0x5f: {  	s26 =	sadd.s32 $0x1, s26  }
0x60: {  	p0 =	sne.s32 s26, $0x19  }
.Ltmp6:
0x61: {  	_ = 	snop;
	(pc) =	sbr.rel @!p0 .LBB2_8-.Ltmp6, $2  }
0x62: {  	_ =	sdelay $0x2  }
0x63: {  	s25 =	sadd.s32 $0x640, s25  }
.LBB2_3:
0x64: {  	s28 =	smul.u32 $0x640, s26;
	_ =	sdelay $0x1  }
0x65: {  	s28 =	sadd.s32 s10, s28  }
0x66: {  	s28 =	sshrl.u32 s28, $0x3  }
.Ltmp7:
0x67: {  	s28 =	sadd.s32 s1, s28;
	(pc) =	sbr.rel .LBB2_4-.Ltmp7, $4  }
0x68: {  	[tilespmem:s24], [sflag:$0x2] =	stream.linear.gather [hbm4b:s28+s24], $0x640, $0x38;
	[tilespmem:$0x1FEC0] =	vst v63  }
0x69: {  	_ =	swait.ge [sflag:s14], $0x640  }
0x6a: {  	[sflag:s14] =	ssyncset.done $0x0  }
0x6b: {  	s29 =	simm.s32 $0x0;
	s28 =	smov.u32 s25;
	[sflag:s14] =	ssyncadd.s32 $0xFFFFF9C0  }
.LBB2_6:
0x6c: {  	s29 =	sadd.s32 $0x40, s29  }
0x6d: {  	p0 =	sne.s32 s29, $0x1900  }
.Ltmp8:
0x6e: {  	_ = 	snop;
	(pc) =	sbr.rel @!p0 .LBB2_7-.Ltmp8, $2  }
0x6f: {  	_ =	sdelay $0x2  }
0x70: {  	s28 =	sadd.s32 $0x10, s28  }
.LBB2_4:
0x71: {  	s0 =	sshra.s32 s29, $0x2  }
0x72: {  	v13 =	vld [tilespmem:s0+$0x0];
	_ =	sdelay $0x4  }
0x73: {  	vm0 =	vge.s32 v13, v11;
	vm1 =	vlt.s32 v13, v12  }
0x74: {  	vm0 =	vmand vm0, vm1  }
0x75: {  	v14 =	vsel vm0, $0x1, v0  }
0x76: {  	(xrf0) =	vadd.scan.msk.s32 $0xffff, v14;
	_ =	sdelay $0x5  }
0x77: {  	v14, _, _ =	vpop (xrf0)  }
0x78: {  	(v2sf) =	vpush v14, $0xF;
	_ =	sdelay $0xb  }
0x79: {  	v15 =	vmov s30  }
0x7a: {  	v15 =	vadd.s32 $0xFFFFFFFF, v15  }
0x7b: {  	v15 =	vbroadcast v15, $0x0  }
0x7c: {  	s3 =	spop (v2sf)  }
0x7d: {  	v14 =	vadd.s32 v15, v14;
	s30 =	sadd.s32 s30, s3  }
0x7e: {  	p0 =	slt.s32 s30, $0x91  }
.Ltmp9:
0x7f: {  	_ = 	snop;
	(pc) =	sbr.rel @p0 .LBB2_6-.Ltmp9, $4  }
0x80: {  	_ = 	snop  }
0x81: {  	v15 =	vor.u32 s28, v1  }
0x82: {  	v13 =	vsub.s32 v13, v11;
	[tilespmem:v14+s15+$0x0] =	vst.idx.msk vm0, v15  }
0x83: {  	[tilespmem:v14+s16+$0x0] =	vst.idx.msk vm0, v13  }
0x84: {  	p0 =	seq.s32 s31, $0x0  }
0x85: {  	s0 =	simm.s32 @!p0 $0x1  }
0x86: {  	_ =	swait.ge @!p0 [sflag:s0], $0x5000  }
0x87: {  	s31 =	simm.s32 @!p0 $0x980;
	[sflag:s0] =	ssyncset.done @!p0 $0x0  }
0x88: {  	s3 =	simm.s32 @!p0 $0xA80;
	[sflag:s0] =	ssyncadd.s32 @!p0 $0xFFFFB000;
	s0 =	simm.s32 @!p0 $0xA0  }
0x89: {  	[spmem:s2] =	stream.indirect.scatter.add.f32 @!p0 [tilespmem:s3], [sflag:$0x2], $0x80, s31, s0, $0xb8;
	[tilespmem:$0x1FEC0] =	vst v63  }
0x8a: {  	s0 =	simm.s32 @!p0 $0x2  }
0x8b: {  	_ =	swait.ge @!p0 [sflag:s0], $0x5000  }
0x8c: {  	[sflag:s0] =	ssyncset.done @!p0 $0x0  }
0x8d: {  	[sflag:s0] =	ssyncadd.s32 @!p0 $0xFFFFB000  }
0x8e: {  	v13 =	vld [tilespmem:$0x780]  }
0x8f: {  	v14 =	vld [tilespmem:$0x680]  }
0x90: {  	v15 =	vld [tilespmem:$0x790];
	_ =	sdelay $0x1  }
0x91: {  	v16 =	vmov s30;
	v17 =	vld [tilespmem:$0x690]  }
0x92: {  	vm0 =	vgt.s32 v16, v1;
	v19 =	vld [tilespmem:$0x6A0]  }
0x93: {  	vm7 =	vgt.s32 v16, v2;
	v58 =	vld [tilespmem:$0x6C0];
	v13 =	vnsel vm0, $0x3480, v13;
	[tilespmem:$0x880] =	vst v14  }
0x94: {  	v14 =	vnsel vm7, $0x3480, v15;
	[tilespmem:$0x980] =	vst v13;
	v13 =	vld [tilespmem:$0x7B0]  }
0x95: {  	[tilespmem:$0x990] =	vst v14;
	v14 =	vld [tilespmem:$0x7C0]  }
0x96: {  	v60 =	vld [tilespmem:$0x6D0]  }
0x97: {  	v61 =	vld [tilespmem:$0x6F0];
	[tilespmem:$0x890] =	vst v17  }
0x98: {  	vm9 =	vgt.s32 v16, v4;
	v63 =	vld [tilespmem:$0x700];
	[tilespmem:$0x8A0] =	vst v19  }
0x99: {  	vm10 =	vgt.s32 v16, v5;
	v15 =	vld [tilespmem:$0x6B0];
	[tilespmem:$0x8C0] =	vst v58;
	v13 =	vnsel vm9, $0x3480, v13  }
0x9a: {  	v14 =	vnsel vm10, $0x3480, v14;
	[tilespmem:$0x9B0] =	vst v13;
	v13 =	vld [tilespmem:$0x7E0]  }
0x9b: {  	[tilespmem:$0x9C0] =	vst v14;
	v14 =	vld [tilespmem:$0x7F0]  }
0x9c: {  	v18 =	vld [tilespmem:$0x7A0];
	[tilespmem:$0x8D0] =	vst v60  }
0x9d: {  	v59 =	vld [tilespmem:$0x7D0];
	[tilespmem:$0x8F0] =	vst v61  }
0x9e: {  	vm12 =	vgt.s32 v16, v7;
	v62 =	vld [tilespmem:$0x800];
	[tilespmem:$0x900] =	vst v63  }
0x9f: {  	vm13 =	vgt.s32 v16, v8;
	[tilespmem:$0x8B0] =	vst v15;
	v15 =	vld [tilespmem:$0x6E0];
	v13 =	vnsel vm12, $0x3480, v13  }
0xa0: {  	vm8 =	vgt.s32 v16, v3;
	v14 =	vnsel vm13, $0x3480, v14;
	[tilespmem:$0x9E0] =	vst v13;
	v13 =	vld [tilespmem:$0x810]  }
0xa1: {  	vm11 =	vgt.s32 v16, v6;
	v57 =	vnsel vm8, $0x3480, v18;
	[tilespmem:$0x9F0] =	vst v14;
	v14 =	vld [tilespmem:$0x710]  }
0xa2: {  	v17 =	vnsel vm11, $0x3480, v59;
	[tilespmem:$0x9A0] =	vst v57  }
0xa3: {  	vm14 =	vgt.s32 v16, v9;
	[tilespmem:$0x9D0] =	vst v17  }
.Ltmp10:
0xa4: {  	[tilespmem:$0x8E0] =	vst v15;
	v15 =	vnsel vm14, $0x3480, v62;
	(pc) =	sbr.rel .LBB2_6-.Ltmp10, $4  }
0xa5: {  	vm15 =	vgt.s32 v16, v10;
	[tilespmem:$0xA00] =	vst v15  }
0xa6: {  	v13 =	vnsel vm15, $0x3480, v13;
	[tilespmem:$0x910] =	vst v14  }
0xa7: {  	s30 =	simm.s32 $0x0;
	s31 =	simm.s32 $0x1;
	[tilespmem:$0xA10] =	vst v13  }
0xa8: {  	[tilespmem:s19], [sflag:$0x1] =	stream.indirect.gather [hbm4b:s6+s17], $0x80, s18, s17, $0xb8;
	[tilespmem:$0x1FEC0] =	vst v63  }
.LBB2_10:
0xa9: {  	p0 =	sne.s32 s30, $0x0  }
0xaa: {  	p1 =	sne.s32 @!p0 s31, $0x1  }
0xab: {  	p0 =	por p0, p1  }
.Ltmp11:
0xac: {  	_ = 	snop;
	(pc) =	sbr.rel @!p0 .LBB2_11-.Ltmp11, $4  }
.Ltmp12:
0xad: {  	_ = 	snop;
	(pc) =	sbr.rel @p0 .LBB2_12-.Ltmp12, $4  }
0xae: {  	_ = 	snop  }
0xaf: {  	_ = 	snop  }
0xb0: {  	_ = 	snop  }
0xb1: {  	_ = 	snop  }
.LBB2_14:
0xb2: {  	_ =	sfence.sel $0x180000  }
0xb3: {  	[bflag:$0x0] =	sbarrier.arrive $0xFFFF  }
0xb4: {  	_ =	strace $0x9000004A  }
0xb5: {  	s0 =	stileid.u32;
	[bflag:$0x2] =	sbarrier.arrive $0xFFFF  }
0xb6: {  	p0 =	sne.s32 s0, $0x0;
	s0 =	rddreg [dreg:$0x3]  }
0xb7: {  	s0 =	sadd.s32 @!p0 $0x100000, s0  }
0xb8: {  	[sflag:s0] =	ssyncadd.tile.s32 @!p0 $0x1;
	_ =	shalt  }
.Lfunc_end2:
_tile_overlayer_lowered:
.L_overlay_start_2:
0xb9: {  	(tag) =	ssettag $0x2  }
0xba: {  	s0 =	rddreg [dreg:$0x0];
	s2 =	stileid.u32  }
0xbb: {  	s1 =	rddreg [dreg:$0x1];
	p0 =	sne.s32 s2, $0x0  }
0xbc: {  	s3 =	rddreg [dreg:$0x2];
	[bflag:$0x3] =	sbarrier.arrive $0xFFFF;
	s2 =	simm.s32 @!p0 $0x1C02  }
0xbd: {  	[timem:s3], [sflag:s2] =	dma.local @!p0 [hbm:s0], s1  }
0xbe: {  	s0 =	simm.s32 @!p0 $0x2  }
0xbf: {  	_ =	swait.ge @!p0 [sflag:s0], s1  }
0xc0: {  	s1 =	ssub.s32 @!p0 $0x0, s1;
	[sflag:s0] =	ssyncset.done @!p0 $0x0  }
0xc1: {  	[sflag:s0] =	ssyncadd.s32 @!p0 s1  }
0xc2: {  	[bflag:$0x3] =	sbarrier.arrive $0xFFFF  }
0xc3: {  	_ =	shalt  }

// kernel: kernel.7.cloned.1.call-start
scs
__scs_entry_jumppad:
0x0: {  	(pc) =	sbr.rel $0x88, $3  }
0x1: {  	(tag) =	ssettag $0x0;
	lr =	simm.s32 $0x1  }
0x2: {  	[smem:$0x3F85] =	sst lr;
	_ =	strace $0xD0000000  }
0x3: {  	_ = 	snop  }
0x4: {  	_ = 	snop  }
0x5: {  	_ = 	snop  }
0x6: {  	_ = 	snop  }
0x7: {  	_ = 	snop  }
__scs_overlays_trampoline_lowered:
0x8: {  	[smem:$0x3F94] =	sst s0  }
0x9: {  	[smem:$0x3F95] =	sst s1  }
0xa: {  	[smem:$0x3F96] =	sst s2  }
0xb: {  	[smem:$0x3F97] =	sst s3  }
0xc: {  	[smem:$0x3F98] =	sst s4  }
0xd: {  	[smem:$0x3F99] =	sst s5  }
0xe: {  	[smem:$0x3F9A] =	sst s6  }
0xf: {  	[smem:$0x3F9B] =	sst s7  }
0x10: {  	[smem:$0x3F9C] =	sst s8  }
0x11: {  	[smem:$0x3F9D] =	sst s9;
	s0 =	simm.s32 @!p0 $0x0  }
0x12: {  	s1 =	sld [smem:$0x3F83];
	s0 =	simm.s32 @p0 $0x1  }
0x13: {  	[smem:$0x3F9E] =	sst s0;
	s0 =	simm.s32 @!p1 $0x0  }
0x14: {  	s2 =	sld [smem:$0x3F82];
	s0 =	simm.s32 @p1 $0x1  }
0x15: {  	[smem:$0x3F9F] =	sst s0;
	s0 =	simm.s32 @!p2 $0x0  }
0x16: {  	s3 =	sld [smem:$0x3FDB];
	s0 =	simm.s32 @p2 $0x1  }
0x17: {  	s4 =	simm.s32 $0x1BF5;
	[smem:$0x3FA1] =	sst s0  }
0x18: {  	s0 =	sld [smem:$0x3F84];
	_ =	swait.ge [sflag:s4], $0x0  }
0x19: {  	s7 =	sld [smem:$0x3F85]  }
0x1a: {  	s8 =	sadd.s32 $0xFFFFE003, lr  }
0x1b: {  	s9 =	sadd.s32 $0xFFFFFEF7, lr;
	s5 =	simm.s32 $0xFFFFFFFF;
	p2 =	slt.u32 s8, $0xFFFFF086  }
0x1c: {  	p1 =	slt.u32 s9, $0xF7A;
	s5 =	simm.s32 @!p2 $0x0  }
0x1d: {  	s5 =	simm.s32 @p1 $0x1;
	p0 =	seq.s32 s7, s2  }
0x1e: {  	s7 =	smul.u32 @!p0 $0xF7A, s2;
	p2 =	seq.s32 @!p0 s5, $0x0  }
0x1f: {  	s9 =	smul.u32 $0xF7A, s1;
	s8 =	simm.s32 @!p0 $0x1BF5;
	p2 =	por !p2, p0  }
0x20: {  	[sflag:s8] =	ssyncset.s32 @!p0 $0xFFFFF086;
	s6 =	sadd.s32 @!p0 s3, s7;
	s7 =	simm.s32 @!p0 $0x108  }
0x21: {  	s3 =	sadd.s32 s3, s9;
	s6 =	sadd.s32 @!p0 $0x88, s6;
	s7 =	simm.s32 @p2 $0x1082  }
0x22: {  	[simem:s7], [sflag:s8] =	dma.local @!p0 [hbm:s6], $0xF7A  }
0x23: {  	s9 =	sor.u32 $0xD0000000, s2;
	s6 =	simm.s32 $0x108;
	_ =	swait.ge @!p0 [sflag:s8], $0x0  }
0x24: {  	s3 =	sadd.s32 $0x88, s3;
	s6 =	simm.s32 @!p1 $0x1082;
	[sflag:s4] =	ssyncset.s32 $0xFFFFF086  }
0x25: {  	[simem:s6], [sflag:s4] =	dma.local [hbm:s3], $0xF7A  }
0x26: {  	[smem:$0x3F85] =	sst s1;
	(tag) =	ssettag s2;
	_ =	strace s9  }
0x27: {  	s1 =	sld [smem:$0x3F95]  }
0x28: {  	s2 =	sld [smem:$0x3F96]  }
0x29: {  	s4 =	sld [smem:$0x3F98]  }
0x2a: {  	p0 =	seq.s32 s5, $0x0;
	s5 =	sld [smem:$0x3F99]  }
0x2b: {  	s6 =	sld [smem:$0x3F9A]  }
0x2c: {  	s7 =	sld [smem:$0x3F9B]  }
0x2d: {  	s3 =	simm.s32 $0x108;
	s8 =	sld [smem:$0x3F9C]  }
0x2e: {  	s3 =	simm.s32 @!p0 $0x1082;
	s9 =	sld [smem:$0x3F9D]  }
0x2f: {  	lr =	sadd.s32 s0, s3;
	s0 =	sld [smem:$0x3F94]  }
0x30: {  	s3 =	sld [smem:$0x3F97]  }
0x31: {  	[smem:$0x3FA0] =	sst s10  }
0x32: {  	s10 =	sld [smem:$0x3F9E];
	_ =	sdelay $0x3  }
0x33: {  	p0 =	seq.s32 s10, $0x1;
	s10 =	sld [smem:$0x3FA0];
	_ =	sdelay $0x3  }
0x34: {  	[smem:$0x3FA0] =	sst s10  }
0x35: {  	s10 =	sld [smem:$0x3F9F];
	_ =	sdelay $0x3  }
0x36: {  	p1 =	seq.s32 s10, $0x1;
	s10 =	sld [smem:$0x3FA0];
	_ =	sdelay $0x3  }
0x37: {  	[smem:$0x3FA0] =	sst s10  }
0x38: {  	s10 =	sld [smem:$0x3FA1]  }
0x39: {  	_ = 	snop;
	(pc) =	sbr.ind lr, $3  }
0x3a: {  	_ = 	snop  }
0x3b: {  	_ = 	snop  }
0x3c: {  	p2 =	seq.s32 s10, $0x1;
	s10 =	sld [smem:$0x3FA0]  }
0x3d: {  	_ =	shalt  }
0x3e: {  	_ =	shalt  }
0x3f: {  	_ =	shalt  }
0x40: {  	_ =	shalt  }
0x41: {  	_ =	shalt  }
0x42: {  	_ =	shalt  }
0x43: {  	_ =	shalt  }
0x44: {  	_ =	shalt  }
0x45: {  	_ =	shalt  }
0x46: {  	_ =	shalt  }
0x47: {  	_ =	shalt  }
0x48: {  	_ =	shalt  }
0x49: {  	_ =	shalt  }
0x4a: {  	_ =	shalt  }
0x4b: {  	_ =	shalt  }
0x4c: {  	_ =	shalt  }
0x4d: {  	_ =	shalt  }
0x4e: {  	_ =	shalt  }
0x4f: {  	_ =	shalt  }
0x50: {  	_ =	shalt  }
0x51: {  	_ =	shalt  }
0x52: {  	_ =	shalt  }
0x53: {  	_ =	shalt  }
0x54: {  	_ =	shalt  }
0x55: {  	_ =	shalt  }
0x56: {  	_ =	shalt  }
0x57: {  	_ =	shalt  }
0x58: {  	_ =	shalt  }
0x59: {  	_ =	shalt  }
0x5a: {  	_ =	shalt  }
0x5b: {  	_ =	shalt  }
0x5c: {  	_ =	shalt  }
0x5d: {  	_ =	shalt  }
0x5e: {  	_ =	shalt  }
0x5f: {  	_ =	shalt  }
0x60: {  	_ =	shalt  }
0x61: {  	_ =	shalt  }
0x62: {  	_ =	shalt  }
0x63: {  	_ =	shalt  }
0x64: {  	_ =	shalt  }
0x65: {  	_ =	shalt  }
0x66: {  	_ =	shalt  }
0x67: {  	_ =	shalt  }
0x68: {  	_ =	shalt  }
0x69: {  	_ =	shalt  }
0x6a: {  	_ =	shalt  }
0x6b: {  	_ =	shalt  }
0x6c: {  	_ =	shalt  }
0x6d: {  	_ =	shalt  }
0x6e: {  	_ =	shalt  }
0x6f: {  	_ =	shalt  }
0x70: {  	_ =	shalt  }
0x71: {  	_ =	shalt  }
0x72: {  	_ =	shalt  }
0x73: {  	_ =	shalt  }
0x74: {  	_ =	shalt  }
0x75: {  	_ =	shalt  }
0x76: {  	_ =	shalt  }
0x77: {  	_ =	shalt  }
0x78: {  	_ =	shalt  }
0x79: {  	_ =	shalt  }
0x7a: {  	_ =	shalt  }
0x7b: {  	_ =	shalt  }
0x7c: {  	_ =	shalt  }
0x7d: {  	_ =	shalt  }
0x7e: {  	_ =	shalt  }
0x7f: {  	_ =	shalt  }
0x80: {  	_ =	shalt  }
0x81: {  	_ =	shalt  }
0x82: {  	_ =	shalt  }
0x83: {  	_ =	shalt  }
0x84: {  	_ =	shalt  }
0x85: {  	_ =	shalt  }
0x86: {  	_ =	shalt  }
0x87: {  	_ =	shalt  }
.Lfunc_end0:
.L_simem_size_0:
called_computation_lowered:
.L_overlay_start_0:
0x88: {  	s2 =	sld [smem:$0x3FD9]  }
0x89: {  	s3 =	sld [smem:$0x3FFE];
	_ =	sdelay $0x1  }
0x8a: {  	s1 =	srdreg.scid  }
0x8b: {  	s0 =	sand.u32 $0x1, s1  }
0x8c: {  	s17 =	sshll.u32 s0, $0xA;
	s2 =	sadd.s32 s3, s2  }
0x8d: {  	s2 =	sadd.s32 s2, s17  }
0x8e: {  	[smem:$0x3FAC] =	sst s2  }
0x8f: {  	_ = 	snop  }
0x90: {  	s2 =	sld [smem:$0x3FC6];
	(tm) =	ssettm $0x1  }
0x91: {  	s18 =	sld [smem:$0x3FFB];
	_ =	sdelay $0x3  }
0x92: {  	_ =	strace s18  }
0x93: {  	s3 =	sld [smem:$0x3FFC];
	_ =	sdelay $0x3  }
0x94: {  	_ =	strace s3  }
0x95: {  	s3 =	sld [smem:$0x3FFD];
	_ =	sdelay $0x3  }
0x96: {  	_ =	strace s3  }
0x97: {  	_ =	strace $0x8FFFFFFF  }
0x98: {  	s19 =	sld [smem:$0x3FDB];
	_ =	sdelay $0x1  }
0x99: {  	s4 =	simm.s32 $_scs_section_size  }
0x9a: {  	s5 =	simm.s32 $_size__tile_overlayer_lowered;
	s6 =	simm.s32 $_tile_overlayer_lowered  }
0x9b: {  	s22 =	simm.s32 $0x1BFF;
	s21 =	sshll.u32 s6, $0x1;
	s3 =	sadd.s32 s4, s19  }
0x9c: {  	s7 =	simm.s32 $0x0;
	s20 =	sshll.u32 s5, $0x1;
	s5 =	sadd.s32 s21, s3  }
0x9d: {  	[timem:s7], [sflag:s22] =	dma.local [hbm:s5], s20  }
0x9e: {  	_ =	swait.ge [sflag:s22], s20  }
0x9f: {  	s4 =	ssub.s32 $0x0, s20;
	[sflag:s22] =	ssyncset.done $0x0  }
0xa0: {  	[sflag:s22] =	ssyncadd.s32 s4;
	_ =	sdelay $0x1  }
0xa1: {  	s23 =	simm.s32 $0x1B8B  }
0xa2: {  	_ =	swait.ge [sflag:s23], $0x1  }
0xa3: {  	[sflag:s23] =	ssyncset.done $0x0  }
0xa4: {  	s25 =	simm.s32 $0x1B8E;
	s24 =	sld [smem:$0x3FFE];
	[sflag:s23] =	ssyncadd.s32 $0xFFFFFFFF  }
0xa5: {  	s26 =	simm.s32 $execute0_lowered;
	[smem:$0x3FD2] =	sst s25  }
0xa6: {  	s5 =	sshll.u32 s26, $0x1;
	_ =	strace $0x80000046;
	[dreg:$0x1] =	wrdreg $0xFFFFFFFF  }
0xa7: {  	s28 =	simm.s32 $_size_execute0_lowered;
	s3 =	sadd.s32 s3, s5;
	[dreg:$0x0] =	wrdreg $0x0  }
0xa8: {  	s5 =	sshll.u32 s28, $0x1;
	[dreg:$0x2] =	wrdreg s3  }
0xa9: {  	[dreg:$0x3] =	wrdreg s5  }
0xaa: {  	[dreg:$0x4] =	wrdreg $0xC0  }
0xab: {  	_ =	task [dreg:s7], $0x5FFFF  }
0xac: {  	[dreg:$0x1] =	wrdreg $0xFFFFFFFF  }
0xad: {  	[dreg:$0x0] =	wrdreg $0x60  }
0xae: {  	[dreg:$0x2] =	wrdreg s24  }
0xaf: {  	[dreg:$0x3] =	wrdreg s2  }
0xb0: {  	[dreg:$0x4] =	wrdreg $0x9  }
0xb1: {  	_ =	task.clear_ibuf [dreg:s7], $0x5FFFF;
	_ =	strace $0x90000046  }
0xb2: {  	s29 =	simm.s32 $0x9;
	_ =	strace $0x80000048  }
0xb3: {  	_ =	swait.ge [sflag:s29], $0x1  }
0xb4: {  	[sflag:s29] =	ssyncadd.s32 $0xFFFFFFFF  }
0xb5: {  	_ =	strace $0x90000048  }
0xb6: {  	_ =	sfence  }
0xb7: {  	s30 =	sld [smem:$0x0];
	_ =	sdelay $0x2  }
0xb8: {  	s31 =	sshll.u32 s1, $0xD;
	s1 =	sshrl.u32 s1, $0x2  }
0xb9: {  	s3 =	sand.u32 $0x4000, s31;
	s1 =	sadd.s32 s1, s30  }
0xba: {  	s0 =	sor.u32 s3, s0;
	s1 =	sshll.u32 s1, $0x11  }
0xbb: {  	s0 =	sor.u32 s1, s0  }
0xbc: {  	s0 =	sadd.s32 $0x8F2B, s0  }
0xbd: {  	[sflag:s0] =	ssyncadd.remote.s32 $0x1  }
0xbe: {  	_ =	sfence.sel $0xFFFF  }
0xbf: {  	[dreg:$0x0] =	wrdreg $0xFFFFFFFF;
	(pc) =	sbr.abs _section_cstart, $3  }
0xc0: {  	[dreg:$0x1] =	wrdreg $0xFFFFFFFF  }
0xc1: {  	_ =	task.clear_ibuf [dreg:s7], $0x2FFFF;
	_ =	strace $0x9FFFFFFF  }
0xc2: {  	(tm) =	ssettm $0x7FFFFFFF  }
0xc3: {  	_ =	shalt  }
tec
execute0_lowered:
.L_overlay_start_1:
0x0: {  	(tag) =	ssettag $0x1  }
0x1: {  	s5 =	rddreg [dreg:$0x0]  }
0x2: {  	s2 =	rddreg [dreg:$0x1]  }
0x3: {  	s0 =	rddreg [dreg:$0x2]  }
0x4: {  	s4 =	srdreg.scid;
	s1 =	stileid.u32;
	s3 =	simm.s32 $0x0  }
0x5: {  	s16 =	simm.s32 $0x200;
	s17 =	simm.s32 $0xCC00;
	s18 =	simm.s32 $0x1  }
0x6: {  	s19 =	simm.s32 $0x2;
	s20 =	simm.s32 $0x0;
	s25 =	smul.u32 $0x9C40, s1  }
0x7: {  	s9 =	sand.u32 $0x1, s4;
	s22 =	sshll.u32 s1, $0x1;
	s28 =	smul.u32 $0x9C400, s1  }
0x8: {  	[smem:$0x7FF] =	sst s3;
	s4 =	sadd.s32 $0x3800, s5;
	s14 =	smul.u32 $0x4E20, s9  }
0x9: {  	s6 =	sor.u32 s9, s22;
	s23 =	ssub.s32 $0x2, s9;
	s15 =	smul.u32 $0x4E200, s9  }
0xa: {  	s10 =	sadd.s32 $0x9C7800, s5;
	s7 =	smul.u32 $0x4E20, s6;
	s8 =	sshrl.u32 s23, $0x1  }
0xb: {  	_ =	strace $0x80000047;
	s12 =	smul.u32 $0x4E200, s6;
	s24 =	ssub.s32 s23, s8  }
0xc: {  	s11 =	sshrl.u32 s7, $0x3;
	s6 =	smax.u32 s24, $0x1;
	s13 =	sadd.s32 $0x4C90, s7  }
0xd: {  	s26 =	sadd.s32 s10, s12;
	s12 =	sadd.s32 s28, s10;
	s5 =	sadd.s32 s2, s11  }
0xe: {  	s7 =	sshrl.u32 s13, $0x3;
	s8 =	sadd.s32 $0x4B000, s26;
	s29 =	sshll.u32 s13, $0x4  }
0xf: {  	s11 =	sadd.s32 s14, s25;
	s12 =	sadd.s32 s15, s12;
	s13 =	simm.s32 $0x3  }
0x10: {  	s14 =	simm.s32 $0x190;
	s15 =	simm.s32 $0x400;
	s30 =	sadd.s32 $0x190, s11  }
0x11: {  	s7 =	sadd.s32 s2, s7;
	s9 =	sadd.s32 s10, s29;
	s31 =	sshrl.u32 s30, $0x3  }
0x12: {  	s10 =	sadd.s32 $0x320, s11;
	s11 =	sadd.s32 $0x1900, s12;
	s12 =	sadd.s32 s31, s2  }
.LBB2_1:
0x13: {  	[tilespmem:s3], [sflag:$0x3] =	stream.linear.gather [hbm4b:s5+s3], $0x190, $0x38;
	[tilespmem:$0x19400] =	vst v63  }
0x14: {  	_ =	swait.ge [sflag:s13], $0x190  }
0x15: {  	[sflag:s13] =	ssyncset.done $0x0  }
0x16: {  	[sflag:s13] =	ssyncadd.s32 $0xFFFFFE70  }
0x17: {  	[tilespmem:s15], [sflag:$0x1] =	stream.indirect.gather [hbm4b:s4+s14], $0x80, s3, s14, $0xb8;
	[tilespmem:$0x19400] =	vst v63  }
0x18: {  	s21 =	sadd.s32 $0x0, s12  }
0x19: {  	[tilespmem:s16], [sflag:$0x3] =	stream.linear.gather [hbm4b:s21+s3], $0x190, $0x38;
	[tilespmem:$0x19400] =	vst v63  }
0x1a: {  	_ =	swait.ge [sflag:s13], $0x190  }
0x1b: {  	[sflag:s13] =	ssyncset.done $0x0  }
0x1c: {  	[sflag:s13] =	ssyncadd.s32 $0xFFFFFE70  }
0x1d: {  	[tilespmem:s17], [sflag:$0x2] =	stream.indirect.gather [hbm4b:s4+s14], $0x80, s16, s14, $0xb8;
	[tilespmem:$0x19400] =	vst v63  }
0x1e: {  	_ =	swait.ge [sflag:s18], $0xC800  }
0x1f: {  	[sflag:s18] =	ssyncset.done $0x0  }
0x20: {  	s30 =	sadd.s32 $0xFFFFE700, s11;
	[sflag:s18] =	ssyncadd.s32 $0xFFFF3800  }
0x21: {  	[hbm4b:s30+s3] =	stream.linear.scatter [tilespmem:s15], [sflag:$0x3], $0xC800, $0x38;
	[tilespmem:$0x19400] =	vst v63  }
0x22: {  	_ =	swait.ge [sflag:s13], $0xC800  }
0x23: {  	s31 =	sshrl.u32 s10, $0x3;
	[sflag:s13] =	ssyncset.done $0x0  }
0x24: {  	s21 =	sadd.s32 s2, s31;
	[sflag:s13] =	ssyncadd.s32 $0xFFFF3800  }
0x25: {  	[tilespmem:s3], [sflag:$0x3] =	stream.linear.gather [hbm4b:s21+s3], $0x190, $0x38;
	[tilespmem:$0x19400] =	vst v63  }
0x26: {  	_ =	swait.ge [sflag:s13], $0x190  }
0x27: {  	[sflag:s13] =	ssyncset.done $0x0  }
0x28: {  	[sflag:s13] =	ssyncadd.s32 $0xFFFFFE70  }
0x29: {  	[tilespmem:s15], [sflag:$0x1] =	stream.indirect.gather [hbm4b:s4+s14], $0x80, s3, s14, $0xb8;
	[tilespmem:$0x19400] =	vst v63  }
0x2a: {  	_ =	swait.ge [sflag:s19], $0xC800  }
0x2b: {  	[sflag:s19] =	ssyncset.done $0x0  }
0x2c: {  	[sflag:s19] =	ssyncadd.s32 $0xFFFF3800  }
0x2d: {  	[hbm4b:s11+s3] =	stream.linear.scatter [tilespmem:s17], [sflag:$0x3], $0xC800, $0x38;
	[tilespmem:$0x19400] =	vst v63  }
0x2e: {  	s23 =	simm.s32 $0x64;
	s24 =	simm.s32 $0xC8;
	_ =	swait.ge [sflag:s13], $0xC800  }
0x2f: {  	s22 =	sadd.s32 $0x320, s10;
	s21 =	sadd.s32 $0x3200, s11;
	[sflag:s13] =	ssyncset.done $0x0  }
.LBB2_2:
0x30: {  	s25 =	sadd.s32 s23, s12  }
0x31: {  	[sflag:s13] =	ssyncadd.s32 $0xFFFF3800;
	s23 =	smov.u32 s24;
	s26 =	sadd.s32 $0x64, s24  }
0x32: {  	[tilespmem:s16], [sflag:$0x3] =	stream.linear.gather [hbm4b:s25+s3], $0x190, $0x38;
	[tilespmem:$0x19400] =	vst v63  }
0x33: {  	p0 =	sne.s32 s24, $0x8FC;
	_ =	swait.ge [sflag:s13], $0x190  }
0x34: {  	[sflag:s13] =	ssyncset.done $0x0  }
0x35: {  	[sflag:s13] =	ssyncadd.s32 $0xFFFFFE70  }
0x36: {  	[tilespmem:s17], [sflag:$0x2] =	stream.indirect.gather [hbm4b:s4+s14], $0x80, s16, s14, $0xb8;
	[tilespmem:$0x19400] =	vst v63  }
0x37: {  	_ =	swait.ge [sflag:s18], $0xC800  }
0x38: {  	[sflag:s18] =	ssyncset.done $0x0  }
0x39: {  	s24 =	sadd.s32 $0xFFFFE700, s21;
	[sflag:s18] =	ssyncadd.s32 $0xFFFF3800  }
0x3a: {  	[hbm4b:s24+s3] =	stream.linear.scatter [tilespmem:s15], [sflag:$0x3], $0xC800, $0x38;
	[tilespmem:$0x19400] =	vst v63  }
0x3b: {  	_ =	swait.ge [sflag:s13], $0xC800  }
0x3c: {  	s24 =	sshrl.u32 s22, $0x3;
	[sflag:s13] =	ssyncset.done $0x0  }
0x3d: {  	s24 =	sadd.s32 s2, s24;
	[sflag:s13] =	ssyncadd.s32 $0xFFFF3800  }
0x3e: {  	[tilespmem:s3], [sflag:$0x3] =	stream.linear.gather [hbm4b:s24+s3], $0x190, $0x38;
	[tilespmem:$0x19400] =	vst v63  }
0x3f: {  	_ =	swait.ge [sflag:s13], $0x190  }
0x40: {  	[sflag:s13] =	ssyncset.done $0x0  }
0x41: {  	[sflag:s13] =	ssyncadd.s32 $0xFFFFFE70  }
0x42: {  	[tilespmem:s15], [sflag:$0x1] =	stream.indirect.gather [hbm4b:s4+s14], $0x80, s3, s14, $0xb8;
	[tilespmem:$0x19400] =	vst v63  }
0x43: {  	_ =	swait.ge [sflag:s19], $0xC800  }
.Ltmp0:
0x44: {  	[sflag:s19] =	ssyncset.done $0x0;
	(pc) =	sbr.rel @p0 .LBB2_2-.Ltmp0, $4  }
0x45: {  	[sflag:s19] =	ssyncadd.s32 $0xFFFF3800  }
0x46: {  	[hbm4b:s21+s3] =	stream.linear.scatter [tilespmem:s17], [sflag:$0x3], $0xC800, $0x38;
	[tilespmem:$0x19400] =	vst v63  }
0x47: {  	s22 =	sadd.s32 $0x320, s22;
	_ =	swait.ge [sflag:s13], $0xC800  }
0x48: {  	s24 =	smov.u32 s26;
	s21 =	sadd.s32 $0x3200, s21;
	[sflag:s13] =	ssyncset.done $0x0  }
0x49: {  	s23 =	sadd.s32 s23, s12;
	[sflag:s13] =	ssyncadd.s32 $0xFFFF3800  }
0x4a: {  	[tilespmem:s16], [sflag:$0x3] =	stream.linear.gather [hbm4b:s23+s3], $0x190, $0x38;
	[tilespmem:$0x19400] =	vst v63  }
0x4b: {  	_ =	swait.ge [sflag:s13], $0x190  }
0x4c: {  	[sflag:s13] =	ssyncset.done $0x0  }
0x4d: {  	[sflag:s13] =	ssyncadd.s32 $0xFFFFFE70  }
0x4e: {  	[tilespmem:s17], [sflag:$0x2] =	stream.indirect.gather [hbm4b:s4+s14], $0x80, s16, s14, $0xb8;
	[tilespmem:$0x19400] =	vst v63  }
0x4f: {  	_ =	swait.ge [sflag:s18], $0xC800  }
0x50: {  	[sflag:s18] =	ssyncset.done $0x0  }
0x51: {  	s31 =	sadd.s32 $0xFFFFE700, s21;
	[sflag:s18] =	ssyncadd.s32 $0xFFFF3800  }
0x52: {  	[hbm4b:s31+s3] =	stream.linear.scatter [tilespmem:s15], [sflag:$0x3], $0xC800, $0x38;
	[tilespmem:$0x19400] =	vst v63  }
0x53: {  	_ =	swait.ge [sflag:s13], $0xC800  }
0x54: {  	s22 =	sshrl.u32 s22, $0x3;
	[sflag:s13] =	ssyncset.done $0x0  }
0x55: {  	s22 =	sadd.s32 s2, s22;
	[sflag:s13] =	ssyncadd.s32 $0xFFFF3800  }
0x56: {  	[tilespmem:s3], [sflag:$0x3] =	stream.linear.gather [hbm4b:s22+s3], $0x190, $0x38;
	[tilespmem:$0x19400] =	vst v63  }
0x57: {  	_ =	swait.ge [sflag:s13], $0x190  }
0x58: {  	[sflag:s13] =	ssyncset.done $0x0  }
0x59: {  	[sflag:s13] =	ssyncadd.s32 $0xFFFFFE70  }
0x5a: {  	[tilespmem:s15], [sflag:$0x1] =	stream.indirect.gather [hbm4b:s4+s14], $0x80, s3, s14, $0xb8;
	[tilespmem:$0x19400] =	vst v63  }
0x5b: {  	_ =	swait.ge [sflag:s19], $0xC800  }
0x5c: {  	[sflag:s19] =	ssyncset.done $0x0  }
0x5d: {  	[sflag:s19] =	ssyncadd.s32 $0xFFFF3800  }
0x5e: {  	[hbm4b:s21+s3] =	stream.linear.scatter [tilespmem:s17], [sflag:$0x3], $0xC800, $0x38;
	[tilespmem:$0x19400] =	vst v63  }
0x5f: {  	_ =	swait.ge [sflag:s13], $0xC800  }
0x60: {  	[sflag:s13] =	ssyncset.done $0x0  }
0x61: {  	[sflag:s13] =	ssyncadd.s32 $0xFFFF3800  }
0x62: {  	[tilespmem:s16], [sflag:$0x3] =	stream.linear.gather [hbm4b:s7+s3], $0x190, $0x38;
	[tilespmem:$0x19400] =	vst v63  }
0x63: {  	_ =	swait.ge [sflag:s13], $0x190  }
0x64: {  	[sflag:s13] =	ssyncset.done $0x0  }
0x65: {  	[sflag:s13] =	ssyncadd.s32 $0xFFFFFE70  }
0x66: {  	[tilespmem:s17], [sflag:$0x2] =	stream.indirect.gather [hbm4b:s4+s14], $0x80, s16, s14, $0xb8;
	[tilespmem:$0x19400] =	vst v63  }
0x67: {  	_ =	swait.ge [sflag:s18], $0xC800  }
0x68: {  	[sflag:s18] =	ssyncset.done $0x0  }
0x69: {  	[sflag:s18] =	ssyncadd.s32 $0xFFFF3800  }
0x6a: {  	[hbm4b:s8+s3] =	stream.linear.scatter [tilespmem:s15], [sflag:$0x3], $0xC800, $0x38;
	[tilespmem:$0x19400] =	vst v63  }
0x6b: {  	_ =	swait.ge [sflag:s13], $0xC800  }
0x6c: {  	[sflag:s13] =	ssyncset.done $0x0  }
0x6d: {  	[sflag:s13] =	ssyncadd.s32 $0xFFFF3800  }
0x6e: {  	s20 =	sadd.s32 $0x1, s20;
	_ =	swait.ge [sflag:s19], $0xC800  }
0x6f: {  	p0 =	sne.s32 s20, s6;
	[sflag:s19] =	ssyncset.done $0x0  }
.Ltmp1:
0x70: {  	[sflag:s19] =	ssyncadd.s32 $0xFFFF3800;
	(pc) =	sbr.rel @p0 .LBB2_1-.Ltmp1, $4  }
0x71: {  	[hbm4b:s9+s3] =	stream.linear.scatter [tilespmem:s17], [sflag:$0x3], $0xC800, $0x38;
	[tilespmem:$0x19400] =	vst v63  }
0x72: {  	_ =	swait.ge [sflag:s13], $0xC800  }
0x73: {  	[sflag:s13] =	ssyncset.done $0x0  }
0x74: {  	[sflag:s13] =	ssyncadd.s32 $0xFFFF3800  }
0x75: {  	_ =	sfence.sel $0x180000  }
0x76: {  	[bflag:$0x0] =	sbarrier.arrive $0xFFFF  }
0x77: {  	p0 =	sne.s32 s1, $0x0;
	_ =	strace $0x90000047  }
0x78: {  	s0 =	sadd.s32 @!p0 $0x100000, s0;
	[bflag:$0x2] =	sbarrier.arrive $0xFFFF  }
0x79: {  	[sflag:s0] =	ssyncadd.tile.s32 @!p0 $0x1;
	_ =	shalt  }
.Lfunc_end2:
_tile_overlayer_lowered:
.L_overlay_start_2:
0x7a: {  	(tag) =	ssettag $0x2  }
0x7b: {  	s0 =	rddreg [dreg:$0x0];
	s2 =	stileid.u32  }
0x7c: {  	s1 =	rddreg [dreg:$0x1];
	p0 =	sne.s32 s2, $0x0  }
0x7d: {  	s3 =	rddreg [dreg:$0x2];
	[bflag:$0x3] =	sbarrier.arrive $0xFFFF;
	s2 =	simm.s32 @!p0 $0x1C03  }
0x7e: {  	[timem:s3], [sflag:s2] =	dma.local @!p0 [hbm:s0], s1  }
0x7f: {  	s0 =	simm.s32 @!p0 $0x3  }
0x80: {  	_ =	swait.ge @!p0 [sflag:s0], s1  }
0x81: {  	s1 =	ssub.s32 @!p0 $0x0, s1;
	[sflag:s0] =	ssyncset.done @!p0 $0x0  }
0x82: {  	[sflag:s0] =	ssyncadd.s32 @!p0 s1  }
0x83: {  	[bflag:$0x3] =	sbarrier.arrive $0xFFFF  }
0x84: {  	_ =	shalt  }

</sc_bundles>
